<compile_context>
chip_gen: v7x
topology: tpu7x:2x2x1
jax: 0.10.2.dev20260603
libtpu: 0.0.44.dev20260713+nightly
codegen_flags: <defaults>
</compile_context>

<pallas_src>
import functools

import jax
import jax.numpy as jnp
from jax import lax
from jax.experimental import pallas as pl
from jax.experimental.pallas import tpu as pltpu
from jax.experimental.pallas import tpu_sc as plsc

N = 50000
E = 800000
IN_F = 128
EPS = 1e-5

_ROW_BLK = 2000
_CH = 64
_EP = 802816
_DEG_PAD = 51200


def _stage_a_body(x_ref, wa_ref, wb_ref, b_ref, o_ref):
    xb = x_ref[...]
    xr = jnp.roll(xb, 1, axis=1)
    o_ref[...] = jnp.maximum(xb * wa_ref[...] + xr * wb_ref[...] + b_ref[...], 0.0)


def _stage_a(x, sparse_w, sparse_b):
    wa = sparse_w[:IN_F].reshape(1, IN_F)
    wb = jnp.roll(sparse_w[IN_F:], 1).reshape(1, IN_F)
    b = sparse_b.reshape(1, IN_F)
    return pl.pallas_call(
        _stage_a_body,
        grid=(N // _ROW_BLK,),
        in_specs=[
            pl.BlockSpec((_ROW_BLK, IN_F), lambda i: (i, 0)),
            pl.BlockSpec((1, IN_F), lambda i: (0, 0)),
            pl.BlockSpec((1, IN_F), lambda i: (0, 0)),
            pl.BlockSpec((1, IN_F), lambda i: (0, 0)),
        ],
        out_specs=pl.BlockSpec((_ROW_BLK, IN_F), lambda i: (i, 0)),
        out_shape=jax.ShapeDtypeStruct((N, IN_F), jnp.float32),
    )(x, wa, wb, b)


_MESH = plsc.VectorSubcoreMesh(core_axis_name="c", subcore_axis_name="s")


def _sc_degree(colp, ewp):
    nchunk = _EP // (32 * _CH)

    @functools.partial(
        pl.kernel,
        out_type=jax.ShapeDtypeStruct((2, _DEG_PAD), jnp.float32),
        mesh=_MESH,
        scratch_types=[
            pltpu.VMEM((_CH,), jnp.int32),
            pltpu.VMEM((_CH,), jnp.float32),
            pltpu.VMEM((3200,), jnp.float32),
            pltpu.VMEM_SHARED((_DEG_PAD,), jnp.float32),
        ],
    )
    def k(col_hbm, ew_hbm, out_hbm, colv, ewv, zv, deg_sp):
        c = lax.axis_index("c")
        s = lax.axis_index("s")
        wid = c * 16 + s

        @pl.loop(0, 3200 // 16)
        def _(i):
            zv[pl.ds(i * 16, 16)] = jnp.zeros((16,), jnp.float32)

        pltpu.sync_copy(zv, deg_sp.at[pl.ds(s * 3200, 3200)])
        plsc.subcore_barrier()

        @pl.loop(0, nchunk)
        def _(kk):
            base = (wid * nchunk + kk) * _CH
            pltpu.sync_copy(col_hbm.at[pl.ds(base, _CH)], colv)
            pltpu.sync_copy(ew_hbm.at[pl.ds(base, _CH)], ewv)
            pltpu.sync_copy(ewv, deg_sp.at[colv], add=True)

        plsc.subcore_barrier()

        @pl.when(s == 0)
        def _():
            pltpu.sync_copy(deg_sp, out_hbm.at[c])

    return k(colp, ewp)


def _batchnorm(x, g, b):
    mu = jnp.mean(x, axis=0)
    var = jnp.var(x, axis=0)
    return (x - mu) / jnp.sqrt(var + EPS) * g[None, :] + b[None, :]


def _conv_layer(h, W, b, dinv, rowp, colp, ewp):
    g = (h @ W) * dinv[:, None]
    msg = g[rowp[:E]] * ewp[:E, None]
    conv = jax.ops.segment_sum(msg, colp[:E], num_segments=N)
    return dinv[:, None] * (conv + g) + b[None, :]


def kernel(x, edge_index, edge_weight, sparse_w, sparse_b, bn_s_g, bn_s_b,
           W1, b1, bn1_g, bn1_b, W2, b2, bn2_g, bn2_b, lin_W, lin_b):
    pad = _EP - E
    rowp = jnp.concatenate([edge_index[0], jnp.zeros((pad,), jnp.int32)])
    colp = jnp.concatenate([edge_index[1], jnp.zeros((pad,), jnp.int32)])
    ewp = jnp.concatenate([edge_weight, jnp.zeros((pad,), jnp.float32)])

    degp = _sc_degree(colp, ewp)
    deg = degp[0, :N] + degp[1, :N] + 1.0
    dinv = lax.rsqrt(deg)

    h = _stage_a(x, sparse_w, sparse_b)
    h = _batchnorm(h, bn_s_g, bn_s_b)
    h = jax.nn.relu(_conv_layer(h, W1, b1, dinv, rowp, colp, ewp))
    h = _batchnorm(h, bn1_g, bn1_b)
    h = jax.nn.relu(_conv_layer(h, W2, b2, dinv, rowp, colp, ewp))
    h = _batchnorm(h, bn2_g, bn2_b)
    return h @ lin_W + lin_b[None, :]

# --- scband reference (transcript-rebuilt; emitter-appended) ---
"""Pipeline reference for scband-pw-gcnn-46755013984837 (READ-ONLY COPY).

The authoritative reference and input builder live on the scoring server;
editing this copy changes nothing except your own understanding.
"""

import jax, jax.numpy as jnp
import numpy as np

N = 50000
E = 800000
IN_F = 128
OUT_MASK_F = 128
CL1_F = 64
CL2_F = 64
OUT_F = 10
EPS = 1e-5

_i = np.arange(128)
MASK_IN = jnp.asarray(np.concatenate([_i, _i]).astype(np.int32))
MASK_OUT = jnp.asarray(np.concatenate([_i, (_i + 1) % 128]).astype(np.int32))


def setup_inputs(seed: int = 0):
    key = jax.random.key(seed)
    ks = jax.random.split(key, 8)
    x = jax.random.normal(ks[0], (N, IN_F), dtype=jnp.float32)
    edge_index = jax.random.randint(ks[1], (2, E), 0, N, dtype=jnp.int32)
    edge_weight = jax.random.uniform(ks[2], (E,), dtype=jnp.float32)
    sparse_w = jax.random.normal(ks[3], (MASK_IN.shape[0],), dtype=jnp.float32)
    sparse_b = jnp.zeros((OUT_MASK_F,), dtype=jnp.float32)
    bn_s_g = jnp.ones((OUT_MASK_F,), dtype=jnp.float32)
    bn_s_b = jnp.zeros((OUT_MASK_F,), dtype=jnp.float32)
    W1 = jax.random.normal(ks[4], (OUT_MASK_F, CL1_F), dtype=jnp.float32) * 0.05
    b1 = jnp.zeros((CL1_F,), dtype=jnp.float32)
    bn1_g = jnp.ones((CL1_F,), dtype=jnp.float32)
    bn1_b = jnp.zeros((CL1_F,), dtype=jnp.float32)
    W2 = jax.random.normal(ks[5], (CL1_F, CL2_F), dtype=jnp.float32) * 0.05
    b2 = jnp.zeros((CL2_F,), dtype=jnp.float32)
    bn2_g = jnp.ones((CL2_F,), dtype=jnp.float32)
    bn2_b = jnp.zeros((CL2_F,), dtype=jnp.float32)
    lin_W = jax.random.normal(ks[6], (CL2_F, OUT_F), dtype=jnp.float32) * 0.05
    lin_b = jnp.zeros((OUT_F,), dtype=jnp.float32)
    return {"x": x, "edge_index": edge_index, "edge_weight": edge_weight,
            "sparse_w": sparse_w, "sparse_b": sparse_b,
            "bn_s_g": bn_s_g, "bn_s_b": bn_s_b,
            "W1": W1, "b1": b1, "bn1_g": bn1_g, "bn1_b": bn1_b,
            "W2": W2, "b2": b2, "bn2_g": bn2_g, "bn2_b": bn2_b,
            "lin_W": lin_W, "lin_b": lin_b}


def _sparse_masked_linear(x, w, b):
    # x[:, mask[:,0]] * w scattered-add into output columns mask[:,1]
    xg = jnp.take(x, MASK_IN, axis=1)
    src = xg * w[None, :]
    out = jnp.zeros((x.shape[0], OUT_MASK_F), dtype=x.dtype).at[:, MASK_OUT].add(src)
    return out + b[None, :]


def _batchnorm(x, g, b):
    # BatchNorm1d, training-mode batch statistics (biased variance, as torch)
    mu = jnp.mean(x, axis=0)
    var = jnp.var(x, axis=0)
    return (x - mu) / jnp.sqrt(var + EPS) * g[None, :] + b[None, :]


def _gcn_conv(x, edge_index, edge_weight, W, b):
    # GCNConv with edge weights, add_self_loops=True, sym-normalization
    row = edge_index[0]
    col = edge_index[1]
    loop = jnp.arange(N, dtype=row.dtype)
    row = jnp.concatenate([row, loop])
    col = jnp.concatenate([col, loop])
    ew = jnp.concatenate([edge_weight, jnp.ones((N,), dtype=edge_weight.dtype)])
    deg = jax.ops.segment_sum(ew, col, num_segments=N)
    dinv = jnp.where(deg > 0, 1.0 / jnp.sqrt(deg), 0.0)
    norm = dinv[row] * ew * dinv[col]
    h = x @ W
    msg = h[row] * norm[:, None]
    out = jax.ops.segment_sum(msg, col, num_segments=N)
    return out + b[None, :]


def reference(x, edge_index, edge_weight, sparse_w, sparse_b, bn_s_g, bn_s_b,
              W1, b1, bn1_g, bn1_b, W2, b2, bn2_g, bn2_b, lin_W, lin_b):
    h = jax.nn.relu(_sparse_masked_linear(x, sparse_w, sparse_b))
    h = _batchnorm(h, bn_s_g, bn_s_b)
    h = jax.nn.relu(_gcn_conv(h, edge_index, edge_weight, W1, b1))
    h = _batchnorm(h, bn1_g, bn1_b)
    # dropout: identity (eval mode)
    h = jax.nn.relu(_gcn_conv(h, edge_index, edge_weight, W2, b2))
    h = _batchnorm(h, bn2_g, bn2_b)
    # dropout: identity (eval mode)
    return h @ lin_W + lin_b[None, :]

if __name__ == "__main__":
    import jax
    _d = setup_inputs()
    print(jax.jit(kernel)(*tuple(_d.values())))

</pallas_src>

<mosaic_0001>
#map = affine_map<(d0, d1) -> (0)>
#map1 = affine_map<(d0, d1) -> (0, 0)>
module attributes {stable_mosaic.version = 14 : i64} {
  func.func @k(%arg0: i32, %arg1: i32, %arg2: memref<802816xi32, #tpu.memory_space<hbm>>, %arg3: memref<802816xf32, #tpu.memory_space<hbm>>, %arg4: memref<2x51200xf32, #tpu.memory_space<hbm>>, %arg5: memref<64xi32, #tpu.memory_space<vmem>>, %arg6: memref<64xf32, #tpu.memory_space<vmem>>, %arg7: memref<3200xf32, #tpu.memory_space<vmem>>, %arg8: memref<51200xf32, #tpu.memory_space<vmem_shared>>) attributes {dimension_semantics = [#tpu.dimension_semantics<core_parallel>, #tpu.dimension_semantics<subcore_parallel>], iteration_bounds = array<i64: 2, 16>, scalar_prefetch = 0 : i64, scratch_operands = 4 : i64, tpu.core_type = #tpu.core_type<sc_vector_subcore>, window_params = [{transform_indices = #map}, {transform_indices = #map}, {transform_indices = #map1}]} {
    %mul3A = arith.constant 16 : i32
    %mul3A_0 = arith.muli %arg0, %mul3A : i32
    %add3A = arith.addi %mul3A_0, %arg1 : i32
    %scan3A = arith.constant 0 : i32
    %scan3A_1 = arith.constant 200 : i32
    %scan3A_2 = arith.addi %scan3A, %scan3A_1 : i32
    %scan3A_3 = arith.constant 1 : i32
    scf.for %scan3A_15 = %scan3A to %scan3A_2 step %scan3A_3  : i32 {
      %mul3A_16 = arith.constant 1 : i32
      %mul3A_17 = arith.muli %scan3A_15, %mul3A_16 : i32
      %add3A_18 = arith.constant 0 : i32
      %add3A_19 = arith.addi %add3A_18, %mul3A_17 : i32
      %broadcast_in_dim3A = arith.constant 0.000000e+00 : f32
      %broadcast_in_dim3A_20 = vector.broadcast %broadcast_in_dim3A : f32 to vector<16xf32>
      %mul3A_21 = arith.constant 16 : i32
      %mul3A_22 = arith.muli %add3A_19, %mul3A_21 : i32
      %swap3A = arith.index_cast %mul3A_22 : i32 to index
      %swap3A_23 = tpu.vector_load %arg7[%swap3A] {strides = array<i32>} : memref<3200xf32, #tpu.memory_space<vmem>>, vector<16xf32>,
      %swap3A_24 = vector.shape_cast %swap3A_23 : vector<16xf32> to vector<16xf32>
      %swap3A_25 = vector.shape_cast %broadcast_in_dim3A_20 : vector<16xf32> to vector<16xf32>
      tpu.vector_store %arg7[%swap3A], %swap3A_25 {strides = array<i32>} : memref<3200xf32, #tpu.memory_space<vmem>>, vector<16xf32>,
    }
    %scan3A_4 = arith.constant 200 : i32
    %mul3A_5 = arith.constant 3200 : i32
    %mul3A_6 = arith.muli %arg1, %mul3A_5 : i32
    "tpu.region"() ({
      %run_scoped3A = tpu.sem_alloc : memref<!tpu.dma_semaphore, #tpu.memory_space<semaphore_mem>>
      %dma_start3A = tpu.memref_slice %arg8[%mul3A_6] : memref<51200xf32, #tpu.memory_space<vmem_shared>> -> memref<3200xf32, #tpu.memory_space<vmem_shared>>
      %dma_start3A_15 = tpu.memref_slice %arg8[%mul3A_6] : memref<51200xf32, #tpu.memory_space<vmem_shared>> -> memref<3200xf32, #tpu.memory_space<vmem_shared>>
      tpu.enqueue_dma source(%arg7 : memref<3200xf32, #tpu.memory_space<vmem>>) target(%dma_start3A_15 : memref<3200xf32, #tpu.memory_space<vmem_shared>>) target_semaphore(%run_scoped3A : memref<!tpu.dma_semaphore, #tpu.memory_space<semaphore_mem>>)
      %dma_wait3A = tpu.memref_slice %arg8[%mul3A_6] : memref<51200xf32, #tpu.memory_space<vmem_shared>> -> memref<3200xf32, #tpu.memory_space<vmem_shared>>
      %dma_wait3A_16 = tpu.memref_slice %arg8[%mul3A_6] : memref<51200xf32, #tpu.memory_space<vmem_shared>> -> memref<3200xf32, #tpu.memory_space<vmem_shared>>
      tpu.wait_dma2 semaphore(%run_scoped3A : memref<!tpu.dma_semaphore, #tpu.memory_space<semaphore_mem>>) src(%arg7 : memref<3200xf32, #tpu.memory_space<vmem>>) dst(%dma_wait3A_16 : memref<3200xf32, #tpu.memory_space<vmem_shared>>)
      tpu.yield
    }) : () -> ()
    %barrier3A = arith.constant 0 : index
    tpu.barrier barrier_id(%barrier3A)
    %scan3A_7 = arith.constant 0 : i32
    %scan3A_8 = arith.constant 392 : i32
    %scan3A_9 = arith.addi %scan3A_7, %scan3A_8 : i32
    %scan3A_10 = arith.constant 1 : i32
    scf.for %scan3A_15 = %scan3A_7 to %scan3A_9 step %scan3A_10  : i32 {
      %mul3A_16 = arith.constant 1 : i32
      %mul3A_17 = arith.muli %scan3A_15, %mul3A_16 : i32
      %add3A_18 = arith.constant 0 : i32
      %add3A_19 = arith.addi %add3A_18, %mul3A_17 : i32
      %mul3A_20 = arith.constant 392 : i32
      %mul3A_21 = arith.muli %add3A, %mul3A_20 : i32
      %add3A_22 = arith.addi %mul3A_21, %add3A_19 : i32
      %mul3A_23 = arith.constant 64 : i32
      %mul3A_24 = arith.muli %add3A_22, %mul3A_23 : i32
      "tpu.region"() ({
        %run_scoped3A = tpu.sem_alloc : memref<!tpu.dma_semaphore, #tpu.memory_space<semaphore_mem>>
        %dma_start3A = tpu.memref_slice %arg2[%mul3A_24] : memref<802816xi32, #tpu.memory_space<hbm>> -> memref<64xi32, #tpu.memory_space<hbm>>
        %dma_start3A_25 = tpu.memref_slice %arg2[%mul3A_24] : memref<802816xi32, #tpu.memory_space<hbm>> -> memref<64xi32, #tpu.memory_space<hbm>>
        tpu.enqueue_dma source(%dma_start3A_25 : memref<64xi32, #tpu.memory_space<hbm>>) target(%arg5 : memref<64xi32, #tpu.memory_space<vmem>>) target_semaphore(%run_scoped3A : memref<!tpu.dma_semaphore, #tpu.memory_space<semaphore_mem>>)
        %dma_wait3A = tpu.memref_slice %arg2[%mul3A_24] : memref<802816xi32, #tpu.memory_space<hbm>> -> memref<64xi32, #tpu.memory_space<hbm>>
        %dma_wait3A_26 = tpu.memref_slice %arg2[%mul3A_24] : memref<802816xi32, #tpu.memory_space<hbm>> -> memref<64xi32, #tpu.memory_space<hbm>>
        tpu.wait_dma2 semaphore(%run_scoped3A : memref<!tpu.dma_semaphore, #tpu.memory_space<semaphore_mem>>) src(%dma_wait3A_26 : memref<64xi32, #tpu.memory_space<hbm>>) dst(%arg5 : memref<64xi32, #tpu.memory_space<vmem>>)
        tpu.yield
      }) : () -> ()
      "tpu.region"() ({
        %run_scoped3A = tpu.sem_alloc : memref<!tpu.dma_semaphore, #tpu.memory_space<semaphore_mem>>
        %dma_start3A = tpu.memref_slice %arg3[%mul3A_24] : memref<802816xf32, #tpu.memory_space<hbm>> -> memref<64xf32, #tpu.memory_space<hbm>>
        %dma_start3A_25 = tpu.memref_slice %arg3[%mul3A_24] : memref<802816xf32, #tpu.memory_space<hbm>> -> memref<64xf32, #tpu.memory_space<hbm>>
        tpu.enqueue_dma source(%dma_start3A_25 : memref<64xf32, #tpu.memory_space<hbm>>) target(%arg6 : memref<64xf32, #tpu.memory_space<vmem>>) target_semaphore(%run_scoped3A : memref<!tpu.dma_semaphore, #tpu.memory_space<semaphore_mem>>)
        %dma_wait3A = tpu.memref_slice %arg3[%mul3A_24] : memref<802816xf32, #tpu.memory_space<hbm>> -> memref<64xf32, #tpu.memory_space<hbm>>
        %dma_wait3A_26 = tpu.memref_slice %arg3[%mul3A_24] : memref<802816xf32, #tpu.memory_space<hbm>> -> memref<64xf32, #tpu.memory_space<hbm>>
        tpu.wait_dma2 semaphore(%run_scoped3A : memref<!tpu.dma_semaphore, #tpu.memory_space<semaphore_mem>>) src(%dma_wait3A_26 : memref<64xf32, #tpu.memory_space<hbm>>) dst(%arg6 : memref<64xf32, #tpu.memory_space<vmem>>)
        tpu.yield
      }) : () -> ()
      "tpu.region"() ({
        %run_scoped3A = tpu.sem_alloc : memref<!tpu.dma_semaphore, #tpu.memory_space<semaphore_mem>>
        %dma_start3A = arith.constant 0 : i32
        %dma_start3A_25 = tpu.memref_slice %arg8[%dma_start3A] : memref<51200xf32, #tpu.memory_space<vmem_shared>> -> memref<51200xf32, #tpu.memory_space<vmem_shared>>
        tpu.enqueue_indirect_dma source(%arg6 : memref<64xf32, #tpu.memory_space<vmem>>) target(%dma_start3A_25 : memref<51200xf32, #tpu.memory_space<vmem_shared>>) offsets(%arg5 : memref<64xi32, #tpu.memory_space<vmem>>) semaphore(%run_scoped3A : memref<!tpu.dma_semaphore, #tpu.memory_space<semaphore_mem>>) {add = true}
        %dma_wait3A = arith.constant 0 : i32
        %dma_wait3A_26 = tpu.memref_slice %arg8[%dma_wait3A] : memref<51200xf32, #tpu.memory_space<vmem_shared>> -> memref<51200xf32, #tpu.memory_space<vmem_shared>>
        tpu.wait_indirect_dma semaphore(%run_scoped3A : memref<!tpu.dma_semaphore, #tpu.memory_space<semaphore_mem>>) src(%arg6 : memref<64xf32, #tpu.memory_space<vmem>>) dst(%dma_wait3A_26 : memref<51200xf32, #tpu.memory_space<vmem_shared>>)
        tpu.yield
      }) : () -> ()
    }
    %scan3A_11 = arith.constant 392 : i32
    %barrier3A_12 = arith.constant 0 : index
    tpu.barrier barrier_id(%barrier3A_12)
    %eq3A = arith.constant 0 : i32
    %eq3A_13 = arith.cmpi eq, %arg1, %eq3A : i32
    %convert_element_type3A = arith.extui %eq3A_13 : i1 to i32
    %cond3A = arith.constant 0 : i32
    %cond3A_14 = arith.cmpi ne, %convert_element_type3A, %cond3A : i32
    scf.if %cond3A_14 {
      "tpu.region"() ({
        %run_scoped3A = tpu.sem_alloc : memref<!tpu.dma_semaphore, #tpu.memory_space<semaphore_mem>>
        %dma_start3A = arith.constant 0 : i32
        %dma_start3A_15 = tpu.memref_slice %arg4[%arg0, %dma_start3A] : memref<2x51200xf32, #tpu.memory_space<hbm>> -> memref<1x51200xf32, #tpu.memory_space<hbm>>
        %dma_start3A_16 = tpu.memref_squeeze %dma_start3A_15 : memref<1x51200xf32, #tpu.memory_space<hbm>> -> memref<51200xf32, #tpu.memory_space<hbm>>
        tpu.enqueue_dma source(%arg8 : memref<51200xf32, #tpu.memory_space<vmem_shared>>) target(%dma_start3A_16 : memref<51200xf32, #tpu.memory_space<hbm>>) target_semaphore(%run_scoped3A : memref<!tpu.dma_semaphore, #tpu.memory_space<semaphore_mem>>)
        %dma_wait3A = arith.constant 0 : i32
        %dma_wait3A_17 = tpu.memref_slice %arg4[%arg0, %dma_wait3A] : memref<2x51200xf32, #tpu.memory_space<hbm>> -> memref<1x51200xf32, #tpu.memory_space<hbm>>
        %dma_wait3A_18 = tpu.memref_squeeze %dma_wait3A_17 : memref<1x51200xf32, #tpu.memory_space<hbm>> -> memref<51200xf32, #tpu.memory_space<hbm>>
        tpu.wait_dma2 semaphore(%run_scoped3A : memref<!tpu.dma_semaphore, #tpu.memory_space<semaphore_mem>>) src(%arg8 : memref<51200xf32, #tpu.memory_space<vmem_shared>>) dst(%dma_wait3A_18 : memref<51200xf32, #tpu.memory_space<hbm>>)
        tpu.yield
      }) : () -> ()
    } else {
    }
    return
  }
}

module attributes {stable_mosaic.version = 14 : i64} {
  func.func @_stage_a_body(%arg0: i32, %arg1: memref<2000x128xf32, #tpu.memory_space<vmem>>, %arg2: memref<1x128xf32, #tpu.memory_space<vmem>>, %arg3: memref<1x128xf32, #tpu.memory_space<vmem>>, %arg4: memref<1x128xf32, #tpu.memory_space<vmem>>, %arg5: memref<2000x128xf32, #tpu.memory_space<vmem>>) attributes {dimension_semantics = [#tpu.dimension_semantics<arbitrary>], iteration_bounds = array<i64: 25>, scalar_prefetch = 0 : i64, scratch_operands = 0 : i64, tpu.core_type = #tpu.core_type<tc>, window_params = [{transform_indices = @transform_0, window_bounds = array<i64: 2000, 128>}, {pipeline_mode = #tpu.pipeline_mode<synchronous>, transform_indices = @transform_1, window_bounds = array<i64: 1, 128>}, {pipeline_mode = #tpu.pipeline_mode<synchronous>, transform_indices = @transform_2, window_bounds = array<i64: 1, 128>}, {pipeline_mode = #tpu.pipeline_mode<synchronous>, transform_indices = @transform_3, window_bounds = array<i64: 1, 128>}, {transform_indices = @transform_4, window_bounds = array<i64: 2000, 128>}]} {
    %get3A = arith.constant 0 : index
    %get3A_0 = arith.constant 0 : index
    %get3A_1 = vector.load %arg1[%get3A, %get3A_0] : memref<2000x128xf32, #tpu.memory_space<vmem>>, vector<2000x128xf32>
    %slice3A = vector.extract_strided_slice %get3A_1 {offsets = [0, 127], sizes = [2000, 1], strides = [1, 1]} : vector<2000x128xf32> to vector<2000x1xf32>
    %slice3A_2 = vector.extract_strided_slice %get3A_1 {offsets = [0, 0], sizes = [2000, 127], strides = [1, 1]} : vector<2000x128xf32> to vector<2000x127xf32>
    %concatenate3A = tpu.concatenate %slice3A, %slice3A_2 in 1 : vector<2000x1xf32>, vector<2000x127xf32> -> vector<2000x128xf32>
    %get3A_3 = arith.constant 0 : index
    %get3A_4 = arith.constant 0 : index
    %get3A_5 = vector.load %arg2[%get3A_3, %get3A_4] : memref<1x128xf32, #tpu.memory_space<vmem>>, vector<1x128xf32>
    %mul3A = vector.broadcast %get3A_5 : vector<1x128xf32> to vector<2000x128xf32>
    %mul3A_6 = arith.mulf %get3A_1, %mul3A : vector<2000x128xf32>
    %get3A_7 = arith.constant 0 : index
    %get3A_8 = arith.constant 0 : index
    %get3A_9 = vector.load %arg3[%get3A_7, %get3A_8] : memref<1x128xf32, #tpu.memory_space<vmem>>, vector<1x128xf32>
    %mul3A_10 = vector.broadcast %get3A_9 : vector<1x128xf32> to vector<2000x128xf32>
    %mul3A_11 = arith.mulf %concatenate3A, %mul3A_10 : vector<2000x128xf32>
    %add3A = arith.addf %mul3A_6, %mul3A_11 : vector<2000x128xf32>
    %get3A_12 = arith.constant 0 : index
    %get3A_13 = arith.constant 0 : index
    %get3A_14 = vector.load %arg4[%get3A_12, %get3A_13] : memref<1x128xf32, #tpu.memory_space<vmem>>, vector<1x128xf32>
    %add3A_15 = vector.broadcast %get3A_14 : vector<1x128xf32> to vector<2000x128xf32>
    %add3A_16 = arith.addf %add3A, %add3A_15 : vector<2000x128xf32>
    %max3A = arith.constant 0.000000e+00 : f32
    %max3A_17 = vector.broadcast %max3A : f32 to vector<2000x128xf32>
    %max3A_18 = arith.maximumf %add3A_16, %max3A_17 : vector<2000x128xf32>
    %swap3A = arith.constant 0 : index
    %swap3A_19 = arith.constant 0 : index
    %swap3A_20 = vector.load %arg5[%swap3A, %swap3A_19] : memref<2000x128xf32, #tpu.memory_space<vmem>>, vector<2000x128xf32>
    tpu.vector_store %arg5[%swap3A, %swap3A_19], %max3A_18 {strides = array<i32>} : memref<2000x128xf32, #tpu.memory_space<vmem>>, vector<2000x128xf32>,
    return
  }
  func.func @transform_0(%arg0: i32) -> (i32, i32) {
    %c0_i32 = arith.constant 0 : i32
    %c0_i32_0 = arith.constant 0 : i32
    return %arg0, %c0_i32 : i32, i32
  }
  func.func @transform_1(%arg0: i32) -> (i32, i32) {
    %c0_i32 = arith.constant 0 : i32
    %c0_i32_0 = arith.constant 0 : i32
    %c0_i32_1 = arith.constant 0 : i32
    return %c0_i32, %c0_i32_0 : i32, i32
  }
  func.func @transform_2(%arg0: i32) -> (i32, i32) {
    %c0_i32 = arith.constant 0 : i32
    %c0_i32_0 = arith.constant 0 : i32
    %c0_i32_1 = arith.constant 0 : i32
    return %c0_i32, %c0_i32_0 : i32, i32
  }
  func.func @transform_3(%arg0: i32) -> (i32, i32) {
    %c0_i32 = arith.constant 0 : i32
    %c0_i32_0 = arith.constant 0 : i32
    %c0_i32_1 = arith.constant 0 : i32
    return %c0_i32, %c0_i32_0 : i32, i32
  }
  func.func @transform_4(%arg0: i32) -> (i32, i32) {
    %c0_i32 = arith.constant 0 : i32
    %c0_i32_0 = arith.constant 0 : i32
    return %arg0, %c0_i32 : i32, i32
  }
}

</mosaic_0001>

<sc_bundles>
// kernel: kernel.4.cloned.1.call-start
scs
__scs_entry_jumppad:
0x0: {  	(pc) =	sbr.rel $0x88, $3  }
0x1: {  	(tag) =	ssettag $0x0;
	lr =	simm.s32 $0x1  }
0x2: {  	[smem:$0x3F90] =	sst lr;
	_ =	strace $0xD0000000  }
0x3: {  	_ = 	snop  }
0x4: {  	_ = 	snop  }
0x5: {  	_ = 	snop  }
0x6: {  	_ = 	snop  }
0x7: {  	_ = 	snop  }
__scs_overlays_trampoline_lowered:
0x8: {  	[smem:$0x3F9F] =	sst s0  }
0x9: {  	[smem:$0x3FA0] =	sst s1  }
0xa: {  	[smem:$0x3FA1] =	sst s2  }
0xb: {  	[smem:$0x3FA2] =	sst s3  }
0xc: {  	[smem:$0x3FA3] =	sst s4  }
0xd: {  	[smem:$0x3FA4] =	sst s5  }
0xe: {  	[smem:$0x3FA5] =	sst s6  }
0xf: {  	[smem:$0x3FA6] =	sst s7  }
0x10: {  	[smem:$0x3FA7] =	sst s8  }
0x11: {  	[smem:$0x3FA8] =	sst s9;
	s0 =	simm.s32 @!p0 $0x0  }
0x12: {  	s1 =	sld [smem:$0x3F8E];
	s0 =	simm.s32 @p0 $0x1  }
0x13: {  	[smem:$0x3FA9] =	sst s0;
	s0 =	simm.s32 @!p1 $0x0  }
0x14: {  	s2 =	sld [smem:$0x3F8D];
	s0 =	simm.s32 @p1 $0x1  }
0x15: {  	[smem:$0x3FAA] =	sst s0;
	s0 =	simm.s32 @!p2 $0x0  }
0x16: {  	s3 =	sld [smem:$0x3FDB];
	s0 =	simm.s32 @p2 $0x1  }
0x17: {  	s4 =	simm.s32 $0x1BF5;
	[smem:$0x3FAC] =	sst s0  }
0x18: {  	s0 =	sld [smem:$0x3F8F];
	_ =	swait.ge [sflag:s4], $0x0  }
0x19: {  	s7 =	sld [smem:$0x3F90]  }
0x1a: {  	s8 =	sadd.s32 $0xFFFFE003, lr  }
0x1b: {  	s9 =	sadd.s32 $0xFFFFFEF7, lr;
	s5 =	simm.s32 $0xFFFFFFFF;
	p2 =	slt.u32 s8, $0xFFFFF086  }
0x1c: {  	p1 =	slt.u32 s9, $0xF7A;
	s5 =	simm.s32 @!p2 $0x0  }
0x1d: {  	s5 =	simm.s32 @p1 $0x1;
	p0 =	seq.s32 s7, s2  }
0x1e: {  	s7 =	smul.u32 @!p0 $0xF7A, s2;
	p2 =	seq.s32 @!p0 s5, $0x0  }
0x1f: {  	s9 =	smul.u32 $0xF7A, s1;
	s8 =	simm.s32 @!p0 $0x1BF5;
	p2 =	por !p2, p0  }
0x20: {  	[sflag:s8] =	ssyncset.s32 @!p0 $0xFFFFF086;
	s6 =	sadd.s32 @!p0 s3, s7;
	s7 =	simm.s32 @!p0 $0x108  }
0x21: {  	s3 =	sadd.s32 s3, s9;
	s6 =	sadd.s32 @!p0 $0x88, s6;
	s7 =	simm.s32 @p2 $0x1082  }
0x22: {  	[simem:s7], [sflag:s8] =	dma.local @!p0 [hbm:s6], $0xF7A  }
0x23: {  	s9 =	sor.u32 $0xD0000000, s2;
	s6 =	simm.s32 $0x108;
	_ =	swait.ge @!p0 [sflag:s8], $0x0  }
0x24: {  	s3 =	sadd.s32 $0x88, s3;
	s6 =	simm.s32 @!p1 $0x1082;
	[sflag:s4] =	ssyncset.s32 $0xFFFFF086  }
0x25: {  	[simem:s6], [sflag:s4] =	dma.local [hbm:s3], $0xF7A  }
0x26: {  	[smem:$0x3F90] =	sst s1;
	(tag) =	ssettag s2;
	_ =	strace s9  }
0x27: {  	s1 =	sld [smem:$0x3FA0]  }
0x28: {  	s2 =	sld [smem:$0x3FA1]  }
0x29: {  	s4 =	sld [smem:$0x3FA3]  }
0x2a: {  	p0 =	seq.s32 s5, $0x0;
	s5 =	sld [smem:$0x3FA4]  }
0x2b: {  	s6 =	sld [smem:$0x3FA5]  }
0x2c: {  	s7 =	sld [smem:$0x3FA6]  }
0x2d: {  	s3 =	simm.s32 $0x108;
	s8 =	sld [smem:$0x3FA7]  }
0x2e: {  	s3 =	simm.s32 @!p0 $0x1082;
	s9 =	sld [smem:$0x3FA8]  }
0x2f: {  	lr =	sadd.s32 s0, s3;
	s0 =	sld [smem:$0x3F9F]  }
0x30: {  	s3 =	sld [smem:$0x3FA2]  }
0x31: {  	[smem:$0x3FAB] =	sst s10  }
0x32: {  	s10 =	sld [smem:$0x3FA9];
	_ =	sdelay $0x3  }
0x33: {  	p0 =	seq.s32 s10, $0x1;
	s10 =	sld [smem:$0x3FAB];
	_ =	sdelay $0x3  }
0x34: {  	[smem:$0x3FAB] =	sst s10  }
0x35: {  	s10 =	sld [smem:$0x3FAA];
	_ =	sdelay $0x3  }
0x36: {  	p1 =	seq.s32 s10, $0x1;
	s10 =	sld [smem:$0x3FAB];
	_ =	sdelay $0x3  }
0x37: {  	[smem:$0x3FAB] =	sst s10  }
0x38: {  	s10 =	sld [smem:$0x3FAC]  }
0x39: {  	_ = 	snop;
	(pc) =	sbr.ind lr, $3  }
0x3a: {  	_ = 	snop  }
0x3b: {  	_ = 	snop  }
0x3c: {  	p2 =	seq.s32 s10, $0x1;
	s10 =	sld [smem:$0x3FAB]  }
0x3d: {  	_ =	shalt  }
0x3e: {  	_ =	shalt  }
0x3f: {  	_ =	shalt  }
0x40: {  	_ =	shalt  }
0x41: {  	_ =	shalt  }
0x42: {  	_ =	shalt  }
0x43: {  	_ =	shalt  }
0x44: {  	_ =	shalt  }
0x45: {  	_ =	shalt  }
0x46: {  	_ =	shalt  }
0x47: {  	_ =	shalt  }
0x48: {  	_ =	shalt  }
0x49: {  	_ =	shalt  }
0x4a: {  	_ =	shalt  }
0x4b: {  	_ =	shalt  }
0x4c: {  	_ =	shalt  }
0x4d: {  	_ =	shalt  }
0x4e: {  	_ =	shalt  }
0x4f: {  	_ =	shalt  }
0x50: {  	_ =	shalt  }
0x51: {  	_ =	shalt  }
0x52: {  	_ =	shalt  }
0x53: {  	_ =	shalt  }
0x54: {  	_ =	shalt  }
0x55: {  	_ =	shalt  }
0x56: {  	_ =	shalt  }
0x57: {  	_ =	shalt  }
0x58: {  	_ =	shalt  }
0x59: {  	_ =	shalt  }
0x5a: {  	_ =	shalt  }
0x5b: {  	_ =	shalt  }
0x5c: {  	_ =	shalt  }
0x5d: {  	_ =	shalt  }
0x5e: {  	_ =	shalt  }
0x5f: {  	_ =	shalt  }
0x60: {  	_ =	shalt  }
0x61: {  	_ =	shalt  }
0x62: {  	_ =	shalt  }
0x63: {  	_ =	shalt  }
0x64: {  	_ =	shalt  }
0x65: {  	_ =	shalt  }
0x66: {  	_ =	shalt  }
0x67: {  	_ =	shalt  }
0x68: {  	_ =	shalt  }
0x69: {  	_ =	shalt  }
0x6a: {  	_ =	shalt  }
0x6b: {  	_ =	shalt  }
0x6c: {  	_ =	shalt  }
0x6d: {  	_ =	shalt  }
0x6e: {  	_ =	shalt  }
0x6f: {  	_ =	shalt  }
0x70: {  	_ =	shalt  }
0x71: {  	_ =	shalt  }
0x72: {  	_ =	shalt  }
0x73: {  	_ =	shalt  }
0x74: {  	_ =	shalt  }
0x75: {  	_ =	shalt  }
0x76: {  	_ =	shalt  }
0x77: {  	_ =	shalt  }
0x78: {  	_ =	shalt  }
0x79: {  	_ =	shalt  }
0x7a: {  	_ =	shalt  }
0x7b: {  	_ =	shalt  }
0x7c: {  	_ =	shalt  }
0x7d: {  	_ =	shalt  }
0x7e: {  	_ =	shalt  }
0x7f: {  	_ =	shalt  }
0x80: {  	_ =	shalt  }
0x81: {  	_ =	shalt  }
0x82: {  	_ =	shalt  }
0x83: {  	_ =	shalt  }
0x84: {  	_ =	shalt  }
0x85: {  	_ =	shalt  }
0x86: {  	_ =	shalt  }
0x87: {  	_ =	shalt  }
.Lfunc_end0:
.L_simem_size_0:
called_computation.2_lowered:
.L_overlay_start_0:
0x88: {  	s2 =	sld [smem:$0x3FD9]  }
0x89: {  	s3 =	sld [smem:$0x3FFE];
	_ =	sdelay $0x1  }
0x8a: {  	s1 =	srdreg.scid  }
0x8b: {  	s0 =	sand.u32 $0x1, s1  }
0x8c: {  	s16 =	sshll.u32 s0, $0xA;
	s2 =	sadd.s32 s3, s2  }
0x8d: {  	s2 =	sadd.s32 s2, s16  }
0x8e: {  	[smem:$0x3FB7] =	sst s2  }
0x8f: {  	_ = 	snop  }
0x90: {  	(tm) =	ssettm $0x1  }
0x91: {  	s17 =	sld [smem:$0x3FFB];
	_ =	sdelay $0x3  }
0x92: {  	_ =	strace s17  }
0x93: {  	s2 =	sld [smem:$0x3FFC];
	_ =	sdelay $0x3  }
0x94: {  	_ =	strace s2  }
0x95: {  	s2 =	sld [smem:$0x3FFD];
	_ =	sdelay $0x3  }
0x96: {  	_ =	strace s2  }
0x97: {  	_ =	strace $0x8FFFFFFF  }
0x98: {  	s18 =	sld [smem:$0x3FDB];
	_ =	sdelay $0x1  }
0x99: {  	s19 =	simm.s32 $_scs_section_size  }
0x9a: {  	s4 =	simm.s32 $_size__tile_overlayer_lowered;
	s5 =	simm.s32 $_tile_overlayer_lowered  }
0x9b: {  	s22 =	simm.s32 $0x1BFF;
	s21 =	sshll.u32 s5, $0x1;
	s2 =	sadd.s32 s19, s18  }
0x9c: {  	s6 =	simm.s32 $0x0;
	s20 =	sshll.u32 s4, $0x1;
	s4 =	sadd.s32 s21, s2  }
0x9d: {  	[timem:s6], [sflag:s22] =	dma.local [hbm:s4], s20  }
0x9e: {  	_ =	swait.ge [sflag:s22], s20  }
0x9f: {  	s3 =	ssub.s32 $0x0, s20;
	[sflag:s22] =	ssyncset.done $0x0  }
0xa0: {  	[sflag:s22] =	ssyncadd.s32 s3;
	_ =	sdelay $0x1  }
0xa1: {  	s23 =	simm.s32 $0x1B8B  }
0xa2: {  	_ =	swait.ge [sflag:s23], $0x1  }
0xa3: {  	[sflag:s23] =	ssyncset.done $0x0  }
0xa4: {  	s25 =	simm.s32 $0x1B8E;
	s24 =	sld [smem:$0x3FFE];
	[sflag:s23] =	ssyncadd.s32 $0xFFFFFFFF  }
0xa5: {  	s26 =	simm.s32 $execute0_lowered;
	[smem:$0x3FD2] =	sst s25  }
0xa6: {  	s4 =	sshll.u32 s26, $0x1;
	_ =	strace $0x80000046;
	[dreg:$0x1] =	wrdreg $0xFFFFFFFF  }
0xa7: {  	s28 =	simm.s32 $_size_execute0_lowered;
	s2 =	sadd.s32 s2, s4;
	[dreg:$0x0] =	wrdreg $0x0  }
0xa8: {  	s4 =	sshll.u32 s28, $0x1;
	[dreg:$0x2] =	wrdreg s2  }
0xa9: {  	[dreg:$0x3] =	wrdreg s4  }
0xaa: {  	[dreg:$0x4] =	wrdreg $0xC0  }
0xab: {  	_ =	task [dreg:s6], $0x5FFFF  }
0xac: {  	[dreg:$0x1] =	wrdreg $0xFFFFFFFF  }
0xad: {  	[dreg:$0x0] =	wrdreg $0x60  }
0xae: {  	[dreg:$0x2] =	wrdreg s24  }
0xaf: {  	[dreg:$0x3] =	wrdreg $0xD800  }
0xb0: {  	[dreg:$0x4] =	wrdreg $0x9  }
0xb1: {  	_ =	task.clear_ibuf [dreg:s6], $0x5FFFF;
	_ =	strace $0x90000046  }
0xb2: {  	s29 =	simm.s32 $0x9;
	_ =	strace $0x80000048  }
0xb3: {  	_ =	swait.ge [sflag:s29], $0x1  }
0xb4: {  	[sflag:s29] =	ssyncadd.s32 $0xFFFFFFFF  }
0xb5: {  	_ =	strace $0x90000048  }
0xb6: {  	_ =	sfence  }
0xb7: {  	s30 =	sld [smem:$0x0];
	_ =	sdelay $0x2  }
0xb8: {  	s31 =	sshll.u32 s1, $0xD;
	s1 =	sshrl.u32 s1, $0x2  }
0xb9: {  	s3 =	sand.u32 $0x4000, s31;
	s1 =	sadd.s32 s1, s30  }
0xba: {  	s0 =	sor.u32 s3, s0;
	s1 =	sshll.u32 s1, $0x11  }
0xbb: {  	s0 =	sor.u32 s1, s0  }
0xbc: {  	s0 =	sadd.s32 $0x8F2B, s0  }
0xbd: {  	[sflag:s0] =	ssyncadd.remote.s32 $0x1  }
0xbe: {  	_ =	sfence.sel $0xFFFF  }
0xbf: {  	[dreg:$0x0] =	wrdreg $0xFFFFFFFF;
	(pc) =	sbr.abs _section_cstart, $3  }
0xc0: {  	[dreg:$0x1] =	wrdreg $0xFFFFFFFF  }
0xc1: {  	_ =	task.clear_ibuf [dreg:s6], $0x2FFFF;
	_ =	strace $0x9FFFFFFF  }
0xc2: {  	(tm) =	ssettm $0x7FFFFFFF  }
0xc3: {  	_ =	shalt  }
tec
execute0_lowered:
.L_overlay_start_1:
0x0: {  	(tag) =	ssettag $0x1  }
0x1: {  	s3 =	rddreg [dreg:$0x0]  }
0x2: {  	s1 =	rddreg [dreg:$0x1]  }
0x3: {  	s0 =	rddreg [dreg:$0x2];
	s2 =	simm.s32 $0x0  }
0x4: {  	s4 =	srdreg.scid;
	s11 =	stileid.u32;
	s10 =	simm.s32 $0x80  }
0x5: {  	s13 =	simm.s32 $0x0;
	[smem:$0x7FF] =	sst s2;
	s5 =	smul.u32 $0x3200, s11  }
0x6: {  	s4 =	sand.u32 $0x1, s4;
	s9 =	smul.u32 $0xC40, s11;
	p0 =	sne.s32 s11, $0x0  }
0x7: {  	s11 =	simm.s32 $0x40;
	_ =	strace $0x80000047;
	s6 =	sshll.u32 s4, $0x4  }
0x8: {  	s7 =	ssub.s32 $0x2, s4;
	s4 =	smul.u32 $0xC400, s4;
	s12 =	sshrl.u32 @!p0 s1, $0x3  }
0x9: {  	s6 =	sadd.s32 s6, s3;
	s8 =	sshrl.u32 s7, $0x1;
	s5 =	sshrl.u32 s5, $0x2  }
0xa: {  	s7 =	ssub.s32 s7, s8;
	s31 =	sadd.s32 s4, s3;
	s3 =	sadd.s32 s5, s1  }
0xb: {  	s4 =	sadd.s32 $0x31000, s6;
	s8 =	simm.s32 $0x100;
	s5 =	sadd.s32 s9, s31  }
0xc: {  	v0 =	vimm.f32 $0.0e+00;
	s6 =	smax.u32 s7, $0x1;
	s9 =	simm.s32 $0x1;
	s7 =	sadd.s32 $0x18800, s5  }
.LBB2_1:
0xd: {  	s14 =	simm.s32 $0x40;
	s15 =	simm.s32 $0x0  }
.LBB2_2:
0xe: {  	p1 =	sne.s32 s14, $0x31C0;
	[tilespmem:s15+$0x100] =	vst v0;
	s15 =	smov.u32 s14;
	s14 =	sadd.s32 $0x40, s14  }
.Ltmp0:
0xf: {  	(pc) =	sbr.rel @p1 .LBB2_2-.Ltmp0, $2  }
0x10: {  	_ =	sdelay $0x2  }
0x11: {  	s15 =	sshra.s32 s15, $0x2  }
0x12: {  	[tilespmem:s15+$0x100] =	vst v0  }
0x13: {  	[spmem:s3] =	stream.linear.scatter [tilespmem:s8], [sflag:$0x1], $0xC80, $0x38;
	[tilespmem:$0x1A00] =	vst v63  }
0x14: {  	_ =	swait.ge [sflag:s9], $0xC80  }
0x15: {  	[sflag:s9] =	ssyncset.done $0x0  }
0x16: {  	[sflag:s9] =	ssyncadd.s32 $0xFFFFF380  }
0x17: {  	s14 =	sadd.s32 $0x0, s5;
	[bflag:$0x0] =	sbarrier.arrive $0xFFFF  }
0x18: {  	[tilespmem:s2], [sflag:$0x1] =	stream.linear.gather [hbm4b:s14+s2], $0x40, $0x38;
	[tilespmem:$0x1A00] =	vst v63  }
0x19: {  	_ =	swait.ge [sflag:s9], $0x40  }
0x1a: {  	[sflag:s9] =	ssyncset.done $0x0  }
0x1b: {  	s31 =	sadd.s32 $0x0, s7;
	[sflag:s9] =	ssyncadd.s32 $0xFFFFFFC0  }
0x1c: {  	[tilespmem:s10], [sflag:$0x1] =	stream.linear.gather [hbm4b:s31+s2], $0x40, $0x38;
	[tilespmem:$0x1A00] =	vst v63  }
0x1d: {  	_ =	swait.ge [sflag:s9], $0x40  }
0x1e: {  	[sflag:s9] =	ssyncset.done $0x0  }
0x1f: {  	[sflag:s9] =	ssyncadd.s32 $0xFFFFFFC0  }
0x20: {  	[spmem:s1] =	stream.indirect.scatter.add.f32 [tilespmem:s10], [sflag:$0x1], $0x1, s2, s11, $0xb8;
	[tilespmem:$0x1A00] =	vst v63  }
0x21: {  	_ =	swait.ge [sflag:s9], $0x40  }
0x22: {  	s15 =	simm.s32 $0x10;
	s14 =	simm.s32 $0x8;
	[sflag:s9] =	ssyncset.done $0x0  }
.LBB2_4:
0x23: {  	s16 =	sadd.s32 s14, s5  }
0x24: {  	[sflag:s9] =	ssyncadd.s32 $0xFFFFFFC0;
	s17 =	smov.u32 s15;
	s18 =	sadd.s32 $0x8, s15  }
0x25: {  	[tilespmem:s2], [sflag:$0x1] =	stream.linear.gather [hbm4b:s16+s2], $0x40, $0x38;
	[tilespmem:$0x1A00] =	vst v63  }
0x26: {  	p1 =	sne.s32 s15, $0xC38;
	_ =	swait.ge [sflag:s9], $0x40  }
0x27: {  	[sflag:s9] =	ssyncset.done $0x0  }
0x28: {  	s15 =	sadd.s32 s14, s7;
	s14 =	smov.u32 s17;
	[sflag:s9] =	ssyncadd.s32 $0xFFFFFFC0  }
0x29: {  	[tilespmem:s10], [sflag:$0x1] =	stream.linear.gather [hbm4b:s15+s2], $0x40, $0x38;
	[tilespmem:$0x1A00] =	vst v63  }
0x2a: {  	_ =	swait.ge [sflag:s9], $0x40  }
.Ltmp1:
0x2b: {  	[sflag:s9] =	ssyncset.done $0x0;
	(pc) =	sbr.rel @p1 .LBB2_4-.Ltmp1, $4  }
0x2c: {  	[sflag:s9] =	ssyncadd.s32 $0xFFFFFFC0  }
0x2d: {  	[spmem:s1] =	stream.indirect.scatter.add.f32 [tilespmem:s10], [sflag:$0x1], $0x1, s2, s11, $0xb8;
	[tilespmem:$0x1A00] =	vst v63  }
0x2e: {  	_ =	swait.ge [sflag:s9], $0x40  }
0x2f: {  	s15 =	smov.u32 s18;
	[sflag:s9] =	ssyncset.done $0x0  }
0x30: {  	s15 =	sadd.s32 s14, s5;
	[sflag:s9] =	ssyncadd.s32 $0xFFFFFFC0  }
0x31: {  	[tilespmem:s2], [sflag:$0x1] =	stream.linear.gather [hbm4b:s15+s2], $0x40, $0x38;
	[tilespmem:$0x1A00] =	vst v63  }
0x32: {  	_ =	swait.ge [sflag:s9], $0x40  }
0x33: {  	[sflag:s9] =	ssyncset.done $0x0  }
0x34: {  	s31 =	sadd.s32 s14, s7;
	[sflag:s9] =	ssyncadd.s32 $0xFFFFFFC0  }
0x35: {  	[tilespmem:s10], [sflag:$0x1] =	stream.linear.gather [hbm4b:s31+s2], $0x40, $0x38;
	[tilespmem:$0x1A00] =	vst v63  }
0x36: {  	_ =	swait.ge [sflag:s9], $0x40  }
0x37: {  	[sflag:s9] =	ssyncset.done $0x0  }
0x38: {  	[sflag:s9] =	ssyncadd.s32 $0xFFFFFFC0  }
0x39: {  	[spmem:s1] =	stream.indirect.scatter.add.f32 [tilespmem:s10], [sflag:$0x1], $0x1, s2, s11, $0xb8;
	[tilespmem:$0x1A00] =	vst v63  }
0x3a: {  	s14 =	simm.s32 @!p0 $0x1;
	_ =	swait.ge [sflag:s9], $0x40  }
0x3b: {  	s16 =	simm.s32 @!p0 $0x10;
	s13 =	sadd.s32 $0x1, s13;
	[sflag:s9] =	ssyncset.done $0x0  }
0x3c: {  	s17 =	simm.s32 @!p0 $0x1C01;
	p1 =	sne.s32 s13, s6;
	[sflag:s9] =	ssyncadd.s32 $0xFFFFFFC0  }
.Ltmp2:
0x3d: {  	s15 =	simm.s32 @!p0 $0x20;
	[bflag:$0x0] =	sbarrier.arrive $0xFFFF;
	(pc) =	sbr.rel @p1 .LBB2_1-.Ltmp2, $4  }
0x3e: {  	[hbm:s4@s15], [sflag:s17] =	dma.strided @!p0 [spmem:s12@s16], $0x1900, s14, $0x10   }
0x3f: {  	_ =	swait.ge @!p0 [sflag:s14], $0x1900  }
0x40: {  	[sflag:s14] =	ssyncset.done @!p0 $0x0  }
0x41: {  	[sflag:s14] =	ssyncadd.s32 @!p0 $0xFFFFE700  }
0x42: {  	_ =	sfence.sel $0x180000  }
0x43: {  	[bflag:$0x0] =	sbarrier.arrive $0xFFFF  }
0x44: {  	_ =	strace $0x90000047  }
0x45: {  	s0 =	sadd.s32 @!p0 $0x100000, s0;
	[bflag:$0x2] =	sbarrier.arrive $0xFFFF  }
0x46: {  	[sflag:s0] =	ssyncadd.tile.s32 @!p0 $0x1;
	_ =	shalt  }
.Lfunc_end2:
_tile_overlayer_lowered:
.L_overlay_start_2:
0x47: {  	(tag) =	ssettag $0x2  }
0x48: {  	s0 =	rddreg [dreg:$0x0];
	s2 =	stileid.u32  }
0x49: {  	s1 =	rddreg [dreg:$0x1];
	p0 =	sne.s32 s2, $0x0  }
0x4a: {  	s3 =	rddreg [dreg:$0x2];
	[bflag:$0x3] =	sbarrier.arrive $0xFFFF;
	s2 =	simm.s32 @!p0 $0x1C01  }
0x4b: {  	[timem:s3], [sflag:s2] =	dma.local @!p0 [hbm:s0], s1  }
0x4c: {  	s0 =	simm.s32 @!p0 $0x1  }
0x4d: {  	_ =	swait.ge @!p0 [sflag:s0], s1  }
0x4e: {  	s1 =	ssub.s32 @!p0 $0x0, s1;
	[sflag:s0] =	ssyncset.done @!p0 $0x0  }
0x4f: {  	[sflag:s0] =	ssyncadd.s32 @!p0 s1  }
0x50: {  	[bflag:$0x3] =	sbarrier.arrive $0xFFFF  }
0x51: {  	_ =	shalt  }

// kernel: scatter_offload_async_start.1
scs
__scs_entry_jumppad:
0x0: {  	(pc) =	sbr.rel $0x88, $3  }
0x1: {  	(tag) =	ssettag $0x0;
	lr =	simm.s32 $0x1  }
0x2: {  	[smem:$0x3F90] =	sst lr;
	_ =	strace $0xD0000000  }
0x3: {  	_ = 	snop  }
0x4: {  	_ = 	snop  }
0x5: {  	_ = 	snop  }
0x6: {  	_ = 	snop  }
0x7: {  	_ = 	snop  }
__scs_overlays_trampoline_lowered:
0x8: {  	[smem:$0x3F9F] =	sst s0  }
0x9: {  	[smem:$0x3FA0] =	sst s1  }
0xa: {  	[smem:$0x3FA1] =	sst s2  }
0xb: {  	[smem:$0x3FA2] =	sst s3  }
0xc: {  	[smem:$0x3FA3] =	sst s4  }
0xd: {  	[smem:$0x3FA4] =	sst s5  }
0xe: {  	[smem:$0x3FA5] =	sst s6  }
0xf: {  	[smem:$0x3FA6] =	sst s7  }
0x10: {  	[smem:$0x3FA7] =	sst s8  }
0x11: {  	[smem:$0x3FA8] =	sst s9;
	s0 =	simm.s32 @!p0 $0x0  }
0x12: {  	s1 =	sld [smem:$0x3F8E];
	s0 =	simm.s32 @p0 $0x1  }
0x13: {  	[smem:$0x3FA9] =	sst s0;
	s0 =	simm.s32 @!p1 $0x0  }
0x14: {  	s2 =	sld [smem:$0x3F8D];
	s0 =	simm.s32 @p1 $0x1  }
0x15: {  	[smem:$0x3FAA] =	sst s0;
	s0 =	simm.s32 @!p2 $0x0  }
0x16: {  	s3 =	sld [smem:$0x3FDB];
	s0 =	simm.s32 @p2 $0x1  }
0x17: {  	s4 =	simm.s32 $0x1BF5;
	[smem:$0x3FAC] =	sst s0  }
0x18: {  	s0 =	sld [smem:$0x3F8F];
	_ =	swait.ge [sflag:s4], $0x0  }
0x19: {  	s7 =	sld [smem:$0x3F90]  }
0x1a: {  	s8 =	sadd.s32 $0xFFFFE003, lr  }
0x1b: {  	s9 =	sadd.s32 $0xFFFFFEF7, lr;
	s5 =	simm.s32 $0xFFFFFFFF;
	p2 =	slt.u32 s8, $0xFFFFF086  }
0x1c: {  	p1 =	slt.u32 s9, $0xF7A;
	s5 =	simm.s32 @!p2 $0x0  }
0x1d: {  	s5 =	simm.s32 @p1 $0x1;
	p0 =	seq.s32 s7, s2  }
0x1e: {  	s7 =	smul.u32 @!p0 $0xF7A, s2;
	p2 =	seq.s32 @!p0 s5, $0x0  }
0x1f: {  	s9 =	smul.u32 $0xF7A, s1;
	s8 =	simm.s32 @!p0 $0x1BF5;
	p2 =	por !p2, p0  }
0x20: {  	[sflag:s8] =	ssyncset.s32 @!p0 $0xFFFFF086;
	s6 =	sadd.s32 @!p0 s3, s7;
	s7 =	simm.s32 @!p0 $0x108  }
0x21: {  	s3 =	sadd.s32 s3, s9;
	s6 =	sadd.s32 @!p0 $0x88, s6;
	s7 =	simm.s32 @p2 $0x1082  }
0x22: {  	[simem:s7], [sflag:s8] =	dma.local @!p0 [hbm:s6], $0xF7A  }
0x23: {  	s9 =	sor.u32 $0xD0000000, s2;
	s6 =	simm.s32 $0x108;
	_ =	swait.ge @!p0 [sflag:s8], $0x0  }
0x24: {  	s3 =	sadd.s32 $0x88, s3;
	s6 =	simm.s32 @!p1 $0x1082;
	[sflag:s4] =	ssyncset.s32 $0xFFFFF086  }
0x25: {  	[simem:s6], [sflag:s4] =	dma.local [hbm:s3], $0xF7A  }
0x26: {  	[smem:$0x3F90] =	sst s1;
	(tag) =	ssettag s2;
	_ =	strace s9  }
0x27: {  	s1 =	sld [smem:$0x3FA0]  }
0x28: {  	s2 =	sld [smem:$0x3FA1]  }
0x29: {  	s4 =	sld [smem:$0x3FA3]  }
0x2a: {  	p0 =	seq.s32 s5, $0x0;
	s5 =	sld [smem:$0x3FA4]  }
0x2b: {  	s6 =	sld [smem:$0x3FA5]  }
0x2c: {  	s7 =	sld [smem:$0x3FA6]  }
0x2d: {  	s3 =	simm.s32 $0x108;
	s8 =	sld [smem:$0x3FA7]  }
0x2e: {  	s3 =	simm.s32 @!p0 $0x1082;
	s9 =	sld [smem:$0x3FA8]  }
0x2f: {  	lr =	sadd.s32 s0, s3;
	s0 =	sld [smem:$0x3F9F]  }
0x30: {  	s3 =	sld [smem:$0x3FA2]  }
0x31: {  	[smem:$0x3FAB] =	sst s10  }
0x32: {  	s10 =	sld [smem:$0x3FA9];
	_ =	sdelay $0x3  }
0x33: {  	p0 =	seq.s32 s10, $0x1;
	s10 =	sld [smem:$0x3FAB];
	_ =	sdelay $0x3  }
0x34: {  	[smem:$0x3FAB] =	sst s10  }
0x35: {  	s10 =	sld [smem:$0x3FAA];
	_ =	sdelay $0x3  }
0x36: {  	p1 =	seq.s32 s10, $0x1;
	s10 =	sld [smem:$0x3FAB];
	_ =	sdelay $0x3  }
0x37: {  	[smem:$0x3FAB] =	sst s10  }
0x38: {  	s10 =	sld [smem:$0x3FAC]  }
0x39: {  	_ = 	snop;
	(pc) =	sbr.ind lr, $3  }
0x3a: {  	_ = 	snop  }
0x3b: {  	_ = 	snop  }
0x3c: {  	p2 =	seq.s32 s10, $0x1;
	s10 =	sld [smem:$0x3FAB]  }
0x3d: {  	_ =	shalt  }
0x3e: {  	_ =	shalt  }
0x3f: {  	_ =	shalt  }
0x40: {  	_ =	shalt  }
0x41: {  	_ =	shalt  }
0x42: {  	_ =	shalt  }
0x43: {  	_ =	shalt  }
0x44: {  	_ =	shalt  }
0x45: {  	_ =	shalt  }
0x46: {  	_ =	shalt  }
0x47: {  	_ =	shalt  }
0x48: {  	_ =	shalt  }
0x49: {  	_ =	shalt  }
0x4a: {  	_ =	shalt  }
0x4b: {  	_ =	shalt  }
0x4c: {  	_ =	shalt  }
0x4d: {  	_ =	shalt  }
0x4e: {  	_ =	shalt  }
0x4f: {  	_ =	shalt  }
0x50: {  	_ =	shalt  }
0x51: {  	_ =	shalt  }
0x52: {  	_ =	shalt  }
0x53: {  	_ =	shalt  }
0x54: {  	_ =	shalt  }
0x55: {  	_ =	shalt  }
0x56: {  	_ =	shalt  }
0x57: {  	_ =	shalt  }
0x58: {  	_ =	shalt  }
0x59: {  	_ =	shalt  }
0x5a: {  	_ =	shalt  }
0x5b: {  	_ =	shalt  }
0x5c: {  	_ =	shalt  }
0x5d: {  	_ =	shalt  }
0x5e: {  	_ =	shalt  }
0x5f: {  	_ =	shalt  }
0x60: {  	_ =	shalt  }
0x61: {  	_ =	shalt  }
0x62: {  	_ =	shalt  }
0x63: {  	_ =	shalt  }
0x64: {  	_ =	shalt  }
0x65: {  	_ =	shalt  }
0x66: {  	_ =	shalt  }
0x67: {  	_ =	shalt  }
0x68: {  	_ =	shalt  }
0x69: {  	_ =	shalt  }
0x6a: {  	_ =	shalt  }
0x6b: {  	_ =	shalt  }
0x6c: {  	_ =	shalt  }
0x6d: {  	_ =	shalt  }
0x6e: {  	_ =	shalt  }
0x6f: {  	_ =	shalt  }
0x70: {  	_ =	shalt  }
0x71: {  	_ =	shalt  }
0x72: {  	_ =	shalt  }
0x73: {  	_ =	shalt  }
0x74: {  	_ =	shalt  }
0x75: {  	_ =	shalt  }
0x76: {  	_ =	shalt  }
0x77: {  	_ =	shalt  }
0x78: {  	_ =	shalt  }
0x79: {  	_ =	shalt  }
0x7a: {  	_ =	shalt  }
0x7b: {  	_ =	shalt  }
0x7c: {  	_ =	shalt  }
0x7d: {  	_ =	shalt  }
0x7e: {  	_ =	shalt  }
0x7f: {  	_ =	shalt  }
0x80: {  	_ =	shalt  }
0x81: {  	_ =	shalt  }
0x82: {  	_ =	shalt  }
0x83: {  	_ =	shalt  }
0x84: {  	_ =	shalt  }
0x85: {  	_ =	shalt  }
0x86: {  	_ =	shalt  }
0x87: {  	_ =	shalt  }
.Lfunc_end0:
.L_simem_size_0:
called_computation.1_lowered:
.L_overlay_start_0:
0x88: {  	s2 =	sld [smem:$0x3FD9]  }
0x89: {  	s3 =	sld [smem:$0x3FFE];
	_ =	sdelay $0x1  }
0x8a: {  	s1 =	srdreg.scid  }
0x8b: {  	s0 =	sand.u32 $0x1, s1  }
0x8c: {  	s16 =	sshll.u32 s0, $0xA;
	s2 =	sadd.s32 s3, s2  }
0x8d: {  	s2 =	sadd.s32 s2, s16  }
0x8e: {  	[smem:$0x3FB7] =	sst s2  }
0x8f: {  	_ = 	snop  }
0x90: {  	s2 =	sld [smem:$0x3FD0];
	(tm) =	ssettm $0x1  }
0x91: {  	s17 =	sld [smem:$0x3FFB];
	_ =	sdelay $0x3  }
0x92: {  	_ =	strace s17  }
0x93: {  	s3 =	sld [smem:$0x3FFC];
	_ =	sdelay $0x3  }
0x94: {  	_ =	strace s3  }
0x95: {  	s3 =	sld [smem:$0x3FFD];
	_ =	sdelay $0x3  }
0x96: {  	_ =	strace s3  }
0x97: {  	_ =	strace $0x8FFFFFFF  }
0x98: {  	s18 =	sld [smem:$0x3FDB];
	_ =	sdelay $0x1  }
0x99: {  	s4 =	simm.s32 $_scs_section_size  }
0x9a: {  	s5 =	simm.s32 $_size__tile_overlayer_lowered;
	s6 =	simm.s32 $_tile_overlayer_lowered  }
0x9b: {  	s21 =	simm.s32 $0x1BFF;
	s20 =	sshll.u32 s6, $0x1;
	s3 =	sadd.s32 s4, s18  }
0x9c: {  	s7 =	simm.s32 $0x0;
	s19 =	sshll.u32 s5, $0x1;
	s5 =	sadd.s32 s20, s3  }
0x9d: {  	[timem:s7], [sflag:s21] =	dma.local [hbm:s5], s19  }
0x9e: {  	_ =	swait.ge [sflag:s21], s19  }
0x9f: {  	s4 =	ssub.s32 $0x0, s19;
	[sflag:s21] =	ssyncset.done $0x0  }
0xa0: {  	[sflag:s21] =	ssyncadd.s32 s4;
	_ =	sdelay $0x1  }
0xa1: {  	s22 =	simm.s32 $0x1B8B  }
0xa2: {  	_ =	swait.ge [sflag:s22], $0x1  }
0xa3: {  	[sflag:s22] =	ssyncset.done $0x0  }
0xa4: {  	s23 =	sld [smem:$0x3FFE];
	[sflag:s22] =	ssyncadd.s32 $0xFFFFFFFF  }
0xa5: {  	s25 =	simm.s32 $0x1B8E;
	s24 =	sld [smem:$0x0]  }
0xa6: {  	s26 =	simm.s32 $execute0_lowered;
	[smem:$0x3FD2] =	sst s25  }
0xa7: {  	s6 =	sshll.u32 s26, $0x1;
	_ =	strace $0x8000004C;
	[dreg:$0x1] =	wrdreg $0xFFFFFFFF  }
0xa8: {  	s28 =	simm.s32 $_size_execute0_lowered;
	s3 =	sadd.s32 s3, s6;
	[dreg:$0x0] =	wrdreg $0x0  }
0xa9: {  	s6 =	sshll.u32 s28, $0x1;
	[dreg:$0x2] =	wrdreg s3  }
0xaa: {  	[dreg:$0x3] =	wrdreg s6  }
0xab: {  	[dreg:$0x4] =	wrdreg $0xC0  }
0xac: {  	_ =	task [dreg:s7], $0x5FFFF  }
0xad: {  	[dreg:$0x1] =	wrdreg $0xFFFFFFFF  }
0xae: {  	[dreg:$0x0] =	wrdreg $0x60  }
0xaf: {  	[dreg:$0x2] =	wrdreg s23  }
0xb0: {  	[dreg:$0x3] =	wrdreg s2  }
0xb1: {  	[dreg:$0x4] =	wrdreg s1  }
0xb2: {  	[dreg:$0x5] =	wrdreg s24  }
0xb3: {  	[dreg:$0x6] =	wrdreg $0x9  }
0xb4: {  	_ =	task.clear_ibuf [dreg:s7], $0x7FFFF;
	_ =	strace $0x9000004C  }
0xb5: {  	s29 =	simm.s32 $0x9;
	_ =	strace $0x8000004E  }
0xb6: {  	_ =	swait.ge [sflag:s29], $0x1  }
0xb7: {  	[sflag:s29] =	ssyncadd.s32 $0xFFFFFFFF  }
0xb8: {  	_ =	strace $0x9000004E  }
0xb9: {  	_ =	sfence  }
0xba: {  	s30 =	sld [smem:$0x0];
	_ =	sdelay $0x2  }
0xbb: {  	s31 =	sshll.u32 s1, $0xD;
	s1 =	sshrl.u32 s1, $0x2  }
0xbc: {  	s3 =	sand.u32 $0x4000, s31;
	s1 =	sadd.s32 s1, s30  }
0xbd: {  	s0 =	sor.u32 s3, s0;
	s1 =	sshll.u32 s1, $0x11  }
0xbe: {  	s0 =	sor.u32 s1, s0  }
0xbf: {  	s0 =	sadd.s32 $0x8F2B, s0  }
0xc0: {  	[sflag:s0] =	ssyncadd.remote.s32 $0x1  }
0xc1: {  	_ =	sfence.sel $0xFFFF  }
0xc2: {  	[dreg:$0x0] =	wrdreg $0xFFFFFFFF;
	(pc) =	sbr.abs _section_cstart, $3  }
0xc3: {  	[dreg:$0x1] =	wrdreg $0xFFFFFFFF  }
0xc4: {  	_ =	task.clear_ibuf [dreg:s7], $0x2FFFF;
	_ =	strace $0x9FFFFFFF  }
0xc5: {  	(tm) =	ssettm $0x7FFFFFFF  }
tec
execute0_lowered:
.L_overlay_start_1:
0x0: {  	(tag) =	ssettag $0x1  }
0x1: {  	s2 =	rddreg [dreg:$0x0]  }
0x2: {  	s0 =	rddreg [dreg:$0x1]  }
0x3: {  	s4 =	rddreg [dreg:$0x2];
	_ =	strace $0x8000004D;
	s1 =	simm.s32 $0x1  }
0x4: {  	s3 =	simm.s32 $0x88;
	v0 =	vimm.s32 $0x0;
	[sflag:s1] =	ssyncpa.u1 $0x0  }
0x5: {  	[tilespmem:s3+$0x30] =	vst v0  }
0x6: {  	s1 =	sadd.s32 $0x4CC00, s2;
	s6 =	sadd.s32 $0x110200, s2;
	[tilespmem:s3+$0x20] =	vst v0  }
0x7: {  	s2 =	sadd.s32 $0x34400, s2;
	s7 =	sand.u32 $0x1, s4;
	s4 =	simm.s32 $0x40;
	[tilespmem:s3+$0x10] =	vst v0  }
.LBB2_1:
0x8: {  	s4 =	sadd.s32 $0x40, s4  }
0x9: {  	[tilespmem:s3+$0x0] =	vst v0;
	s3 =	sadd.s32 $0x40, s3;
	p0 =	slt.u32 s4, $0x5040  }
.Ltmp0:
0xa: {  	(pc) =	sbr.rel @p0 .LBB2_1-.Ltmp0, $4  }
0xb: {  	_ = 	snop  }
0xc: {  	[tilespmem:s3+$0x30] =	vst v0  }
0xd: {  	[tilespmem:s3+$0x20] =	vst v0  }
0xe: {  	[tilespmem:s3+$0x10] =	vst v0  }
0xf: {  	s8 =	stileid.u32  }
0x10: {  	s4 =	smul.u32 $0x4E, s8  }
0x11: {  	s5 =	smin.u32 s8, $0x2  }
0x12: {  	s4 =	sadd.s32 s5, s4  }
0x13: {  	p0 =	slt.u32 s8, $0x2;
	s12 =	smul.u32 $0x140, s4;
	s4 =	simm.s32 $0x62C0  }
0x14: {  	s4 =	simm.s32 @!p0 $0x6180  }
0x15: {  	s25 =	simm.s32 $0x2;
	s4 =	sadd.s32 s4, s12  }
0x16: {  	s28 =	simm.s32 $0x9;
	s9 =	simm.s32 $0xA;
	s14 =	smin.u32 s4, $0x61A80  }
0x17: {  	s30 =	simm.s32 $0xB;
	[dreg:$0x5] =	wrdreg s7;
	s4 =	ssub.s32 s14, s12  }
0x18: {  	s31 =	smul.u32 $0xC350, s7;
	s13 =	simm.s32 $0x1;
	p0 =	sgt.s32 s4, $0x0  }
0x19: {  	s19 =	simm.s32 $0x0;
	s20 =	simm.s32 $0xA808;
	s4 =	simm.s32 @!p0 $0x0  }
0x1a: {  	s21 =	simm.s32 $0xFFFFFFFF;
	p1 =	por $0x0, $0x0;
	s26 =	smulhi.u32 $0x66666667, s4  }
0x1b: {  	[tilespmem:s3+$0x0] =	vst v0;
	s23 =	simm.s32 $0x0;
	[sflag:s25] =	ssyncpa.u1 $0x0;
	s18 =	sshll.u32 s8, $0x7  }
0x1c: {  	s0 =	sadd.s32 s31, s0;
	[dreg:$0xb] =	wrdreg s18;
	s3 =	sshrl.u32 s26, $0x7  }
0x1d: {  	v0 =	vimm.s32 $0xFFFFFFFF;
	s17 =	sadd.s32 s31, s2;
	[dreg:$0xa] =	wrdreg s0;
	s29 =	smul.u32 $0x140, s3  }
0x1e: {  	s25 =	simm.s32 $0x0;
	[tilespmem:$0xA108] =	vst v0;
	[sflag:s28] =	ssyncpa.u1 $0x0;
	[dreg:$0x9] =	wrdreg s17  }
.Ltmp1:
0x1f: {  	p0 =	sne.s32 s4, s29;
	s4 =	simm.s32 $0x1;
	(pc) =	sbr.rel .LBB2_3-.Ltmp1, $4  }
0x20: {  	[sflag:s9] =	ssyncpa.u1 $0x0;
	[dreg:$0x6] =	wrdreg s12;
	s4 =	simm.s32 @!p0 $0x0  }
0x21: {  	[sflag:s30] =	ssyncpa.u1 $0x0;
	[dreg:$0x7] =	wrdreg s14;
	s15 =	sadd.s32 s4, s3  }
0x22: {  	s24 =	smov.u32 s12;
	s22 =	sadd.s32 $0x1, s15;
	[dreg:$0x8] =	wrdreg s15  }
0x23: {  	v0 =	vlaneseq.u32;
	s26 =	simm.s32 $0x0;
	p0 =	por $0x1, $0x1;
	[dreg:$0xc] =	wrdreg s22  }
.LBB2_22:
0x24: {  	s0 =	sshrl.u32 s3, $0x2  }
.LBB2_24:
0x25: {  	s3 =	simm.s32 $0xC  }
0x26: {  	_ =	swait.ge [sflag:s3], s0  }
0x27: {  	s31 =	ssub.s32 $0x0, s0;
	v1 =	vmov s4;
	vm0 =	veq.s32 v0, $0x0;
	[sflag:s3] =	ssyncset.done $0x0  }
0x28: {  	vm15 =	veq.s32 v0, $0x2;
	v1 =	vsel vm0, s2, v1;
	[sflag:s3] =	ssyncadd.s32 s31  }
0x29: {  	v1 =	vsel vm15, s26, v1;
	[sflag:s3] =	ssyncpa.u1 $0x1  }
0x2a: {  	[tilespmem:$0xA108] =	vst v1  }
.LBB2_25:
0x2b: {  	s0 =	sadd.s32 $0x140, s24  }
0x2c: {  	s2 =	smov.u32 s12;
	p2 =	slt.s32 s0, s14  }
0x2d: {  	s2 =	smov.u32 @p2 s0;
	p2 =	sne.s32 s25, s22  }
.Ltmp2:
0x2e: {  	_ = 	snop;
	(pc) =	sbr.rel @!p2 .LBB2_26-.Ltmp2, $4  }
0x2f: {  	_ = 	snop  }
0x30: {  	s26 =	smov.u32 s23;
	s31 =	sadd.s32 $0x1, s25;
	p0 =	por !p0, !p0  }
0x31: {  	s23 =	smov.u32 s24;
	s20 =	sadd.s32 $0x140, s20;
	s21 =	sadd.s32 $0x1, s21  }
0x32: {  	p1 =	por !p1, !p1;
	s25 =	smov.u32 s31;
	s24 =	smov.u32 s2  }
.LBB2_3:
0x33: {  	p2 =	sge.u32 s25, s15  }
0x34: {  	s0 =	smulhi.u32 @!p2 $0xAAAAAAAB, s25  }
0x35: {  	s2 =	smov.u32 s24;
	p3 =	sgt.s32 @!p2 s24, $0x61940  }
0x36: {  	s3 =	sshra.s32 @!p2 s24, $0x1F;
	p3 =	por !p3, p2;
	s0 =	sshrl.u32 @!p2 s0, $0x1  }
0x37: {  	s3 =	sand.u32 @!p2 s3, s24;
	s2 =	simm.s32 @p3 $0x61940;
	s0 =	smul.u32 @!p2 $0x3, s0  }
0x38: {  	s2 =	ssub.s32 @!p2 s2, s3  }
0x39: {  	s2 =	sadd.s32 @!p2 $0xFFF9E6C0, s2;
	s0 =	ssub.s32 @!p2 s25, s0  }
0x3a: {  	s3 =	sshll.u32 @!p2 s2, $0x2;
	p3 =	sgt.s32 @!p2 s2, $0x13F;
	s0 =	smul.u32 @!p2 $0x500, s0  }
0x3b: {  	s4 =	sand.u32 @!p2 $0x7, s24;
	s2 =	ssub.s32 @!p2 $0x500, s3;
	p3 =	por !p3, p2  }
0x3c: {  	s3 =	sshrl.u32 @!p2 s24, $0x3;
	s2 =	sshrl.u32 @!p2 s2, $0x2;
	s0 =	sshrl.u32 @!p2 s0, $0x2  }
0x3d: {  	s3 =	sadd.s32 @!p2 s3, s17;
	s2 =	simm.s32 @!p3 $0x0;
	s0 =	sadd.s32 @!p2 $0xA948, s0  }
0x3e: {  	[tilespmem:s0], [sflag:$0xA] =	stream.linear.gather @!p2 [hbm4b:s3+s4], s2, $0x38;
	[tilespmem:$0x1EF88] =	vst v63  }
0x3f: {  	s0 =	sadd.s32 $0xFFFFFFFF, s25  }
0x40: {  	p2 =	sge.u32 s0, s15  }
.Ltmp3:
0x41: {  	_ = 	snop;
	(pc) =	sbr.rel @p2 .LBB2_7-.Ltmp3, $1  }
0x42: {  	_ =	sdelay $0x3  }
0x43: {  	p2 =	sgt.s32 s23, $0x61940;
	s2 =	smov.u32 s23;
	s3 =	sshra.s32 s23, $0x1F  }
0x44: {  	s2 =	simm.s32 @!p2 $0x61940;
	s3 =	sand.u32 s3, s23  }
0x45: {  	s17 =	smulhi.u32 $0xAAAAAAAB, s21;
	s2 =	ssub.s32 s2, s3  }
0x46: {  	s0 =	sand.u32 $0x1, s0;
	s2 =	sadd.s32 $0xFFF9E6C0, s2  }
0x47: {  	s5 =	simm.s32 $0xA;
	s3 =	sshrl.u32 s17, $0x1;
	s4 =	sshll.u32 s2, $0x2  }
0x48: {  	s7 =	sshrl.u32 s23, $0x3;
	s3 =	smul.u32 $0xFFFFF100, s3;
	s4 =	ssub.s32 $0x500, s4  }
0x49: {  	s18 =	smul.u32 $0x500, s0;
	p2 =	sgt.s32 s2, $0x13F;
	s2 =	sshrl.u32 s4, $0x2  }
0x4a: {  	s9 =	sand.u32 $0x7, s23;
	s3 =	sshra.s32 s3, $0x2;
	s2 =	simm.s32 @p2 $0x0  }
0x4b: {  	s0 =	sadd.s32 s3, s20;
	s4 =	sshrl.u32 s18, $0x2;
	_ =	swait.ge [sflag:s5], s2  }
0x4c: {  	s22 =	ssub.s32 $0x0, s2;
	[sflag:s5] =	ssyncset.done $0x0;
	s8 =	rddreg [dreg:$0xa]  }
0x4d: {  	s4 =	sadd.s32 $0xAD08, s4;
	[sflag:s5] =	ssyncadd.s32 s22;
	s3 =	sadd.s32 s7, s8  }
0x4e: {  	[tilespmem:s4], [sflag:$0xB] =	stream.linear.gather [hbm4b:s3+s9], s2, $0x38;
	[tilespmem:$0x1EF88] =	vst v63  }
0x4f: {  	v1 =	vld.msk [tilespmem:s0+$0x0], $0xffff;
	_ =	sdelay $0x4  }
0x50: {  	v1 =	vshll.u32 v1, $0x4  }
0x51: {  	(v2sf) =	vpush v1, $0x0  }
0x52: {  	(v2sf) =	vpush v1, $0x1  }
0x53: {  	(v2sf) =	vpush v1, $0x2;
	_ =	sdelay $0x3  }
0x54: {  	(v2sf) =	vpush v1, $0x3;
	_ =	sdelay $0x1  }
0x55: {  	(v2sf) =	vpush v1, $0x4  }
0x56: {  	s2 =	simm.s32 $0x1;
	(v2sf) =	vpush v1, $0x5  }
0x57: {  	s2 =	simm.s32 @!p0 $0x0  }
0x58: {  	s2 =	smul.u32 $0x28000, s2;
	(v2sf) =	vpush v1, $0x6;
	_ =	sdelay $0x1  }
0x59: {  	s2 =	sshrl.u32 s2, $0x2  }
0x5a: {  	s28 =	sadd.s32 $0xB708, s2  }
0x5b: {  	s12 =	sadd.s32 $0xFFFFF880, s28;
	s17 =	sadd.s32 $0xFFFFF900, s28;
	s10 =	spop (v2sf);
	(v2sf) =	vpush v1, $0x7  }
0x5c: {  	s18 =	sadd.s32 $0xFFFFF980, s28;
	s11 =	sand.u32 $0x1FFFFFF0, s10;
	s14 =	spop (v2sf)  }
0x5d: {  	(v2sf) =	vpush v1, $0x8;
	s2 =	sadd.s32 s6, s11;
	s15 =	sand.u32 $0x1FFFFFF0, s14;
	s16 =	spop (v2sf)  }
0x5e: {  	[tilespmem:s12], [sflag:$0x9] =	stream.linear.gather [hbm4b:s2+s19], $0x40, $0x38;
	[tilespmem:$0x1EF88] =	vst v63  }
0x5f: {  	s5 =	sadd.s32 $0xFFFFFA00, s28;
	s2 =	sadd.s32 s6, s15;
	s3 =	sand.u32 $0x1FFFFFF0, s16  }
0x60: {  	(v2sf) =	vpush v1, $0x9;
	[tilespmem:s17], [sflag:$0x9] =	stream.linear.gather [hbm4b:s2+s19], $0x40, $0x38;
	[tilespmem:$0x1EF88] =	vst v63  }
0x61: {  	s7 =	sadd.s32 $0xFFFFFA80, s28;
	s22 =	spop (v2sf);
	s3 =	sadd.s32 s6, s3  }
0x62: {  	(v2sf) =	vpush v1, $0xA;
	[tilespmem:s18], [sflag:$0x9] =	stream.linear.gather [hbm4b:s3+s19], $0x40, $0x38;
	[tilespmem:$0x1EF88] =	vst v63  }
0x63: {  	s11 =	sadd.s32 $0xFFFFFB00, s28;
	s4 =	spop (v2sf);
	(v2sf) =	vpush v1, $0xB;
	s3 =	sand.u32 $0x1FFFFFF0, s22  }
0x64: {  	s8 =	spop (v2sf);
	s2 =	sadd.s32 s6, s3;
	s3 =	sand.u32 $0x1FFFFFF0, s4  }
0x65: {  	(v2sf) =	vpush v1, $0xC;
	[tilespmem:s5], [sflag:$0x9] =	stream.linear.gather [hbm4b:s2+s19], $0x40, $0x38;
	[tilespmem:$0x1EF88] =	vst v63  }
0x66: {  	s9 =	sand.u32 $0x1FFFFFF0, s8;
	s10 =	spop (v2sf);
	s3 =	sadd.s32 s6, s3  }
0x67: {  	(v2sf) =	vpush v1, $0xD;
	[tilespmem:s7], [sflag:$0x9] =	stream.linear.gather [hbm4b:s3+s19], $0x40, $0x38;
	[tilespmem:$0x1EF88] =	vst v63  }
0x68: {  	s12 =	sadd.s32 $0xFFFFFB80, s28;
	s2 =	sadd.s32 s6, s9;
	s3 =	sand.u32 $0x1FFFFFF0, s10  }
0x69: {  	[tilespmem:s11], [sflag:$0x9] =	stream.linear.gather [hbm4b:s2+s19], $0x40, $0x38;
	[tilespmem:$0x1EF88] =	vst v63  }
0x6a: {  	s17 =	sadd.s32 $0xFFFFFC00, s28;
	s3 =	sadd.s32 s6, s3;
	s14 =	spop (v2sf)  }
0x6b: {  	[tilespmem:s12], [sflag:$0x9] =	stream.linear.gather [hbm4b:s3+s19], $0x40, $0x38;
	(v2sf) =	vpush v1, $0xE;
	[tilespmem:$0x1EF88] =	vst v63  }
0x6c: {  	s18 =	sadd.s32 $0xFFFFFC80, s28;
	s15 =	sand.u32 $0x1FFFFFF0, s14;
	s16 =	spop (v2sf)  }
0x6d: {  	s5 =	sadd.s32 $0xFFFFFD00, s28;
	(v2sf) =	vpush v1, $0xF;
	s2 =	sadd.s32 s6, s15;
	s3 =	sand.u32 $0x1FFFFFF0, s16  }
0x6e: {  	[tilespmem:s17], [sflag:$0x9] =	stream.linear.gather [hbm4b:s2+s19], $0x40, $0x38;
	[tilespmem:$0x1EF88] =	vst v63  }
0x6f: {  	s7 =	sadd.s32 $0xFFFFFD80, s28;
	s22 =	spop (v2sf);
	s3 =	sadd.s32 s6, s3  }
0x70: {  	[tilespmem:s18], [sflag:$0x9] =	stream.linear.gather [hbm4b:s3+s19], $0x40, $0x38;
	[tilespmem:$0x1EF88] =	vst v63  }
0x71: {  	s11 =	sadd.s32 $0xFFFFFE00, s28;
	s4 =	spop (v2sf);
	s3 =	sand.u32 $0x1FFFFFF0, s22  }
0x72: {  	s8 =	spop (v2sf);
	s2 =	sadd.s32 s6, s3;
	s3 =	sand.u32 $0x1FFFFFF0, s4  }
0x73: {  	[tilespmem:s5], [sflag:$0x9] =	stream.linear.gather [hbm4b:s2+s19], $0x40, $0x38;
	[tilespmem:$0x1EF88] =	vst v63  }
0x74: {  	s9 =	sand.u32 $0x1FFFFFF0, s8;
	s10 =	spop (v2sf);
	s3 =	sadd.s32 s6, s3  }
0x75: {  	[tilespmem:s7], [sflag:$0x9] =	stream.linear.gather [hbm4b:s3+s19], $0x40, $0x38;
	[tilespmem:$0x1EF88] =	vst v63  }
0x76: {  	s14 =	spop (v2sf);
	s2 =	sadd.s32 s6, s9;
	s3 =	sand.u32 $0x1FFFFFF0, s10  }
0x77: {  	[tilespmem:s11], [sflag:$0x9] =	stream.linear.gather [hbm4b:s2+s19], $0x40, $0x38;
	[tilespmem:$0x1EF88] =	vst v63  }
0x78: {  	s12 =	sadd.s32 $0xFFFFFE80, s28;
	s15 =	sand.u32 $0x1FFFFFF0, s14;
	s3 =	sadd.s32 s6, s3  }
0x79: {  	[tilespmem:s12], [sflag:$0x9] =	stream.linear.gather [hbm4b:s3+s19], $0x40, $0x38;
	[tilespmem:$0x1EF88] =	vst v63  }
0x7a: {  	s17 =	sadd.s32 $0xFFFFFF00, s28;
	s2 =	sadd.s32 s6, s15;
	s16 =	spop (v2sf)  }
0x7b: {  	[tilespmem:s17], [sflag:$0x9] =	stream.linear.gather [hbm4b:s2+s19], $0x40, $0x38;
	[tilespmem:$0x1EF88] =	vst v63  }
0x7c: {  	s29 =	simm.s32 $0x0;
	s3 =	sand.u32 $0x1FFFFFF0, s16;
	s18 =	spop (v2sf)  }
0x7d: {  	s22 =	sadd.s32 $0xFFFFFF80, s28;
	s3 =	sadd.s32 s6, s3;
	s2 =	sand.u32 $0x1FFFFFF0, s18  }
0x7e: {  	[tilespmem:s22], [sflag:$0x9] =	stream.linear.gather [hbm4b:s3+s19], $0x40, $0x38;
	[tilespmem:$0x1EF88] =	vst v63  }
0x7f: {  	s31 =	sadd.s32 $0x10, s0;
	s30 =	sadd.s32 $0x800, s28;
	s2 =	sadd.s32 s6, s2  }
.LBB2_5:
0x80: {  	[tilespmem:s28], [sflag:$0x9] =	stream.linear.gather [hbm4b:s2+s19], $0x40, $0x38;
	[tilespmem:$0x1EF88] =	vst v63  }
0x81: {  	s29 =	sadd.s32 $0x10, s29;
	s28 =	smov.u32 s30  }
0x82: {  	p2 =	slt.u32 s29, $0x130;
	v1 =	vld.msk [tilespmem:s31+$0x0], $0xffff;
	_ =	sdelay $0x4  }
0x83: {  	v1 =	vshll.u32 v1, $0x4  }
0x84: {  	(v2sf) =	vpush v1, $0x0  }
0x85: {  	(v2sf) =	vpush v1, $0x1  }
0x86: {  	(v2sf) =	vpush v1, $0x2;
	_ =	sdelay $0x1  }
0x87: {  	(v2sf) =	vpush v1, $0x3;
	_ =	sdelay $0x1  }
0x88: {  	(v2sf) =	vpush v1, $0x4;
	_ =	sdelay $0x1  }
0x89: {  	(v2sf) =	vpush v1, $0x5;
	_ =	sdelay $0x1  }
0x8a: {  	(v2sf) =	vpush v1, $0x6  }
0x8b: {  	s4 =	sadd.s32 $0xFFFFFE80, s30;
	s0 =	sadd.s32 $0xFFFFFF00, s30  }
0x8c: {  	s3 =	sadd.s32 $0xFFFFFD00, s30;
	s2 =	sadd.s32 $0xFFFFFD80, s30;
	s5 =	sadd.s32 $0xFFFFFE00, s30;
	(v2sf) =	vpush v1, $0x7  }
0x8d: {  	s10 =	sadd.s32 $0xFFFFFB80, s30;
	s9 =	sadd.s32 $0xFFFFFC00, s30;
	s16 =	sadd.s32 $0xFFFFFC80, s30  }
0x8e: {  	s11 =	sadd.s32 $0xFFFFFA00, s30;
	s12 =	sadd.s32 $0xFFFFFA80, s30;
	s15 =	sadd.s32 $0xFFFFFB00, s30;
	(v2sf) =	vpush v1, $0x8  }
0x8f: {  	s18 =	sadd.s32 $0xFFFFF900, s30;
	s7 =	sadd.s32 $0xFFFFF980, s30;
	s22 =	spop (v2sf)  }
0x90: {  	s8 =	sadd.s32 $0xFFFFF880, s30;
	s22 =	sand.u32 $0x1FFFFFF0, s22;
	s14 =	spop (v2sf);
	(v2sf) =	vpush v1, $0x9  }
0x91: {  	s22 =	sadd.s32 s6, s22;
	s14 =	sand.u32 $0x1FFFFFF0, s14;
	s17 =	spop (v2sf)  }
0x92: {  	[tilespmem:s8], [sflag:$0x9] =	stream.linear.gather [hbm4b:s22+s19], $0x40, $0x38;
	(v2sf) =	vpush v1, $0xA;
	[tilespmem:$0x1EF88] =	vst v63  }
0x93: {  	s8 =	sadd.s32 s6, s14;
	s14 =	sand.u32 $0x1FFFFFF0, s17;
	s17 =	spop (v2sf)  }
0x94: {  	[tilespmem:s18], [sflag:$0x9] =	stream.linear.gather [hbm4b:s8+s19], $0x40, $0x38;
	(v2sf) =	vpush v1, $0xB;
	[tilespmem:$0x1EF88] =	vst v63  }
0x95: {  	s8 =	sadd.s32 s6, s14;
	s14 =	sand.u32 $0x1FFFFFF0, s17;
	s17 =	spop (v2sf)  }
0x96: {  	[tilespmem:s7], [sflag:$0x9] =	stream.linear.gather [hbm4b:s8+s19], $0x40, $0x38;
	(v2sf) =	vpush v1, $0xC;
	[tilespmem:$0x1EF88] =	vst v63  }
0x97: {  	s7 =	sadd.s32 s6, s14;
	s8 =	sand.u32 $0x1FFFFFF0, s17;
	s14 =	spop (v2sf)  }
0x98: {  	[tilespmem:s11], [sflag:$0x9] =	stream.linear.gather [hbm4b:s7+s19], $0x40, $0x38;
	(v2sf) =	vpush v1, $0xD;
	[tilespmem:$0x1EF88] =	vst v63  }
0x99: {  	s7 =	sadd.s32 s6, s8;
	s8 =	sand.u32 $0x1FFFFFF0, s14;
	s11 =	spop (v2sf)  }
0x9a: {  	[tilespmem:s12], [sflag:$0x9] =	stream.linear.gather [hbm4b:s7+s19], $0x40, $0x38;
	(v2sf) =	vpush v1, $0xE;
	[tilespmem:$0x1EF88] =	vst v63  }
0x9b: {  	s7 =	sadd.s32 s6, s8;
	s8 =	sand.u32 $0x1FFFFFF0, s11;
	s11 =	spop (v2sf)  }
0x9c: {  	[tilespmem:s15], [sflag:$0x9] =	stream.linear.gather [hbm4b:s7+s19], $0x40, $0x38;
	(v2sf) =	vpush v1, $0xF;
	[tilespmem:$0x1EF88] =	vst v63  }
0x9d: {  	s7 =	sadd.s32 s6, s8;
	s8 =	sand.u32 $0x1FFFFFF0, s11;
	s11 =	spop (v2sf)  }
0x9e: {  	[tilespmem:s10], [sflag:$0x9] =	stream.linear.gather [hbm4b:s7+s19], $0x40, $0x38;
	[tilespmem:$0x1EF88] =	vst v63  }
0x9f: {  	s7 =	sadd.s32 s6, s8;
	s8 =	sand.u32 $0x1FFFFFF0, s11;
	s10 =	spop (v2sf)  }
0xa0: {  	[tilespmem:s9], [sflag:$0x9] =	stream.linear.gather [hbm4b:s7+s19], $0x40, $0x38;
	[tilespmem:$0x1EF88] =	vst v63  }
0xa1: {  	s7 =	sadd.s32 s6, s8;
	s8 =	sand.u32 $0x1FFFFFF0, s10;
	s9 =	spop (v2sf)  }
0xa2: {  	[tilespmem:s16], [sflag:$0x9] =	stream.linear.gather [hbm4b:s7+s19], $0x40, $0x38;
	[tilespmem:$0x1EF88] =	vst v63  }
0xa3: {  	s7 =	sadd.s32 s6, s8;
	s8 =	sand.u32 $0x1FFFFFF0, s9;
	s9 =	spop (v2sf)  }
0xa4: {  	[tilespmem:s3], [sflag:$0x9] =	stream.linear.gather [hbm4b:s7+s19], $0x40, $0x38;
	[tilespmem:$0x1EF88] =	vst v63  }
0xa5: {  	s3 =	sadd.s32 s6, s8;
	s7 =	sand.u32 $0x1FFFFFF0, s9;
	s8 =	spop (v2sf)  }
0xa6: {  	[tilespmem:s2], [sflag:$0x9] =	stream.linear.gather [hbm4b:s3+s19], $0x40, $0x38;
	[tilespmem:$0x1EF88] =	vst v63  }
0xa7: {  	s2 =	sadd.s32 s6, s7;
	s3 =	sand.u32 $0x1FFFFFF0, s8;
	s7 =	spop (v2sf)  }
0xa8: {  	[tilespmem:s5], [sflag:$0x9] =	stream.linear.gather [hbm4b:s2+s19], $0x40, $0x38;
	[tilespmem:$0x1EF88] =	vst v63  }
0xa9: {  	s2 =	sadd.s32 s6, s3;
	s3 =	sand.u32 $0x1FFFFFF0, s7;
	s5 =	spop (v2sf)  }
0xaa: {  	[tilespmem:s4], [sflag:$0x9] =	stream.linear.gather [hbm4b:s2+s19], $0x40, $0x38;
	[tilespmem:$0x1EF88] =	vst v63  }
0xab: {  	s2 =	sadd.s32 s6, s3  }
.Ltmp4:
0xac: {  	s3 =	sand.u32 $0x1FFFFFF0, s5;
	s4 =	spop (v2sf);
	(pc) =	sbr.rel @p2 .LBB2_5-.Ltmp4, $4  }
0xad: {  	[tilespmem:s0], [sflag:$0x9] =	stream.linear.gather [hbm4b:s2+s19], $0x40, $0x38;
	[tilespmem:$0x1EF88] =	vst v63  }
0xae: {  	s0 =	sadd.s32 s6, s3;
	s2 =	sadd.s32 $0xFFFFFF80, s30;
	s3 =	sand.u32 $0x1FFFFFF0, s4  }
0xaf: {  	[tilespmem:s2], [sflag:$0x9] =	stream.linear.gather [hbm4b:s0+s19], $0x40, $0x38;
	[tilespmem:$0x1EF88] =	vst v63  }
0xb0: {  	s31 =	sadd.s32 $0x10, s31;
	s30 =	sadd.s32 $0x800, s30;
	s2 =	sadd.s32 s6, s3  }
0xb1: {  	[tilespmem:s28], [sflag:$0x9] =	stream.linear.gather [hbm4b:s2+s19], $0x40, $0x38;
	[tilespmem:$0x1EF88] =	vst v63  }
0xb2: {  	s12 =	rddreg [dreg:$0x6]  }
0xb3: {  	s14 =	rddreg [dreg:$0x7]  }
0xb4: {  	s15 =	rddreg [dreg:$0x8]  }
0xb5: {  	s17 =	rddreg [dreg:$0x9]  }
0xb6: {  	s18 =	rddreg [dreg:$0xb]  }
0xb7: {  	s22 =	rddreg [dreg:$0xc]  }
.LBB2_7:
0xb8: {  	p2 =	slt.u32 s25, $0x2  }
.Ltmp5:
0xb9: {  	_ = 	snop;
	(pc) =	sbr.rel @p2 .LBB2_25-.Ltmp5, $1  }
0xba: {  	_ =	sdelay $0x3  }
0xbb: {  	p2 =	sgt.s32 s26, $0x61940;
	s0 =	smov.u32 s26;
	s2 =	sshra.s32 s26, $0x1F  }
0xbc: {  	s0 =	simm.s32 @!p2 $0x61940;
	s2 =	sand.u32 s2, s26  }
0xbd: {  	s0 =	ssub.s32 s0, s2  }
0xbe: {  	s0 =	sadd.s32 $0xFFF9E6C0, s0  }
0xbf: {  	s3 =	simm.s32 $0x9;
	s29 =	sshll.u32 s0, $0x2  }
0xc0: {  	_ =	swait.ge [sflag:s3], $0x5000;
	s2 =	ssub.s32 $0x500, s29  }
0xc1: {  	[sflag:s3] =	ssyncset.done $0x0;
	p2 =	sgt.s32 s0, $0x13F;
	s0 =	sshrl.u32 s2, $0x2  }
0xc2: {  	s30 =	simm.s32 $0xB;
	[sflag:s3] =	ssyncadd.s32 $0xFFFFB000;
	s0 =	simm.s32 @p2 $0x0  }
0xc3: {  	_ =	swait.ge [sflag:s30], s0  }
0xc4: {  	s0 =	ssub.s32 $0x0, s0;
	[sflag:s30] =	ssyncset.done $0x0  }
0xc5: {  	[sflag:s30] =	ssyncadd.s32 s0  }
0xc6: {  	v1 =	vld [tilespmem:$0xA108];
	_ =	sdelay $0x4  }
0xc7: {  	(v2sf) =	vpush v1, $0x0  }
0xc8: {  	(v2sf) =	vpush v1, $0x1  }
0xc9: {  	(v2sf) =	vpush v1, $0x2;
	_ =	sdelay $0x3  }
0xca: {  	s0 =	sadd.s32 $0x140, s26  }
0xcb: {  	s4 =	ssub.s32 $0xC3500, s26;
	p2 =	slt.s32 s14, s0  }
0xcc: {  	s0 =	smov.u32 @p2 s14;
	p2 =	sgt.s32 s4, $0x0  }
0xcd: {  	s0 =	ssub.s32 s0, s26;
	s4 =	simm.s32 @!p2 $0x0  }
0xce: {  	p2 =	slt.s32 s4, s0  }
0xcf: {  	s0 =	smov.u32 @p2 s4  }
0xd0: {  	s2 =	simm.s32 $0x1;
	p2 =	slt.s32 s0, $0x1  }
.Ltmp6:
0xd1: {  	s2 =	simm.s32 @!p1 $0x0;
	(pc) =	sbr.rel @p2 .LBB2_12-.Ltmp6, $4  }
0xd2: {  	s7 =	smul.u32 $0x500, s2  }
0xd3: {  	s3 =	spop (v2sf)  }
0xd4: {  	s31 =	sshrl.u32 s7, $0x2;
	s5 =	spop (v2sf)  }
0xd5: {  	s28 =	sadd.s32 $0xAD08, s31;
	s26 =	spop (v2sf)  }
0xd6: {  	s4 =	smin.u32 s0, $0x10  }
0xd7: {  	v1 =	vmov s4  }
0xd8: {  	p3 =	sgt.s32 s0, $0x10;
	vm1 =	vgt.u32 v1, v0  }
.Ltmp7:
0xd9: {  	_ = 	snop;
	(pc) =	sbr.rel @!p3 .LBB2_11-.Ltmp7, $2  }
0xda: {  	_ =	sdelay $0x2  }
0xdb: {  	s9 =	simm.s32 $0x10;
	s10 =	sadd.s32 $0xFFFFFFF0, s0;
	s4 =	smov.u32 s28;
	vm0 =	vmmov vm1  }
.LBB2_10:
0xdc: {  	s7 =	smin.u32 s10, $0x10;
	s9 =	sadd.s32 $0x10, s9;
	v1 =	vld.msk [tilespmem:s4+$0x0 ss:$0x1], vm1  }
0xdd: {  	v2 =	vmov s7;
	p3 =	slt.s32 s9, s0  }
0xde: {  	vm1 =	vgt.u32 v2, v0  }
.Ltmp8:
0xdf: {  	(pc) =	sbr.rel @p3 .LBB2_10-.Ltmp8, $3  }
0xe0: {  	_ =	sdelay $0x1  }
0xe1: {  	v1 =	vshll.u32 v1, $0x4  }
0xe2: {  	s10 =	sadd.s32 $0xFFFFFFF0, s10;
	[tilespmem:s4+$0x0] =	vst.msk vm0, v1;
	s4 =	sadd.s32 $0x10, s4;
	vm0 =	vmmov vm1  }
.LBB2_11:
0xe3: {  	_ =	sdelay $0x4  }
0xe4: {  	v1 =	vld.msk [tilespmem:s4+$0x0 ss:$0x1], vm1;
	_ =	sdelay $0x4  }
0xe5: {  	v1 =	vshll.u32 v1, $0x4  }
0xe6: {  	[tilespmem:s4+$0x0] =	vst.msk vm0, v1  }
.LBB2_12:
0xe7: {  	s4 =	sand.u32 $0x1, s25  }
0xe8: {  	s4 =	smul.u32 $0x140, s4  }
0xe9: {  	p3 =	sne.s32 s5, $0xFFFFFFFF  }
0xea: {  	v1 =	vld.msk @!p3 [tilespmem:s4+$0xAD08], $0x1;
	_ =	sdelay $0x4  }
0xeb: {  	(v2sf) =	vpush @!p3 v1, $0x0;
	_ =	sdelay $0xc  }
.Ltmp9:
0xec: {  	_ = 	snop;
	(pc) =	sbr.rel @p2 .LBB2_23-.Ltmp9, $4  }
0xed: {  	_ = 	snop  }
0xee: {  	s29 =	spop @!p3 (v2sf)  }
0xef: {  	s31 =	simm.s32 $0xC;
	s26 =	simm.s32 @!p3 $0x0;
	s4 =	smov.u32 s29  }
0xf0: {  	[sflag:s31] =	ssyncpa.u1 $0x0;
	s29 =	smov.u32 @p3 s3;
	s4 =	smov.u32 @p3 s5  }
0xf1: {  	v1 =	vld.msk [tilespmem:s28+$0x0], $0x1;
	_ =	sdelay $0x4  }
0xf2: {  	(v2sf) =	vpush v1, $0x0;
	_ =	sdelay $0xe  }
0xf3: {  	s2 =	smul.u32 $0x28000, s2;
	s5 =	spop (v2sf)  }
0xf4: {  	s31 =	ssub.s32 $0x0, s0;
	p2 =	seq.s32 s29, s5  }
0xf5: {  	s3 =	smov.u32 s29;
	s2 =	sshrl.u32 s2, $0x2;
	p3 =	sgt.s32 @!p2 s29, $0x0  }
0xf6: {  	s30 =	sadd.s32 $0xAFA8, s2;
	s2 =	sadd.s32 $0x1, s31;
	p3 =	por !p3, p2  }
0xf7: {  	s3 =	simm.s32 @p3 $0x0;
	p3 =	seq.s32 s2, $0x0  }
.Ltmp10:
0xf8: {  	_ = 	snop;
	(pc) =	sbr.rel @p3 .LBB2_15-.Ltmp10, $4  }
0xf9: {  	_ = 	snop  }
0xfa: {  	s0 =	simm.s32 $0x0;
	s9 =	simm.s32 @!p2 $0x1;
	s3 =	smin.u32 @!p2 s3, $0xC34F8  }
0xfb: {  	s10 =	simm.s32 @!p2 $0x50C8;
	s9 =	smov.u32 @p2 s0;
	s7 =	sand.u32 @!p2 $0xFFFF8, s3  }
0xfc: {  	s16 =	sand.u32 @!p2 $0x7, s3;
	s3 =	sadd.s32 $0x1, s28;
	s11 =	sadd.s32 @!p2 s1, s7  }
.LBB2_14:
0xfd: {  	s7 =	smov.u32 s9  }
0xfe: {  	[tilespmem:s10], [sflag:$0x2] =	stream.linear.gather @!p2 [hbm4b:s11+s16], $0x40, $0x38;
	[tilespmem:$0x1EF88] =	vst v63  }
0xff: {  	s2 =	sadd.s32 $0x1, s2;
	s8 =	smov.u32 s5;
	v1 =	vld.msk [tilespmem:s3+$0x0], $0x1  }
0x100: {  	p3 =	seq.s32 s2, $0x0;
	_ =	sdelay $0x3  }
0x101: {  	(v2sf) =	vpush v1, $0x0;
	_ =	sdelay $0xe  }
0x102: {  	s5 =	spop (v2sf)  }
0x103: {  	p2 =	seq.s32 s8, s5  }
0x104: {  	p4 =	sgt.s32 @!p2 s8, $0x0;
	s10 =	sshll.u32 @!p2 s9, $0x8;
	s9 =	sadd.s32 @!p2 $0x1, s9  }
.Ltmp11:
0x105: {  	p4 =	por !p4, p2;
	s10 =	sshra.s32 @!p2 s10, $0x2;
	(pc) =	sbr.rel @!p3 .LBB2_14-.Ltmp11, $4  }
0x106: {  	s9 =	smov.u32 @p2 s7;
	s8 =	simm.s32 @p4 $0x0;
	s10 =	sadd.s32 @!p2 $0x50C8, s10  }
0x107: {  	s7 =	smin.u32 @!p2 s8, $0xC34F8  }
0x108: {  	s8 =	sand.u32 @!p2 $0xFFFF8, s7;
	s16 =	sand.u32 @!p2 $0x7, s7  }
0x109: {  	s3 =	sadd.s32 $0x1, s3;
	s11 =	sadd.s32 @!p2 s1, s8  }
.LBB2_15:
0x10a: {  	[tilespmem:s10], [sflag:$0x2] =	stream.linear.gather @!p2 [hbm4b:s11+s16], $0x40, $0x38;
	[tilespmem:$0x1EF88] =	vst v63  }
.Ltmp12:
0x10b: {  	s2 =	sshll.u32 s9, $0x6;
	(pc) =	sbr.rel .LBB2_16-.Ltmp12, $4  }
0x10c: {  	s3 =	simm.s32 $0x2;
	s2 =	sand.u32 $0x3FFFFFC0, s2  }
0x10d: {  	_ =	swait.ge [sflag:s3], s2  }
0x10e: {  	s2 =	ssub.s32 $0x0, s2;
	[sflag:s3] =	ssyncset.done $0x0  }
0x10f: {  	[sflag:s3] =	ssyncadd.s32 s2;
	s3 =	simm.s32 $0x0  }
.LBB2_17:
0x110: {  	v1 =	vld [tilespmem:s30+$0xFFFFFFE0];
	_ =	sdelay $0x4  }
0x111: {  	[tilespmem:s5+$0x88] =	vst.add.f32.msk $0xffff, v1  }
0x112: {  	v1 =	vld [tilespmem:s30+$0xFFFFFFF0];
	_ =	sdelay $0x4  }
0x113: {  	[tilespmem:s5+$0x98] =	vst.add.f32.msk $0xffff, v1  }
0x114: {  	v1 =	vld [tilespmem:s30+$0x0];
	_ =	sdelay $0x4  }
0x115: {  	[tilespmem:s5+$0xA8] =	vst.add.f32.msk $0xffff, v1  }
0x116: {  	v1 =	vld [tilespmem:s30+$0x10];
	_ =	sdelay $0x4  }
0x117: {  	[tilespmem:s5+$0xB8] =	vst.add.f32.msk $0xffff, v1  }
.LBB2_21:
0x118: {  	s31 =	sadd.s32 $0x1, s31  }
0x119: {  	p2 =	seq.s32 s31, $0x0  }
.Ltmp13:
0x11a: {  	_ = 	snop;
	(pc) =	sbr.rel @p2 .LBB2_22-.Ltmp13, $2  }
0x11b: {  	_ =	sdelay $0x2  }
0x11c: {  	s30 =	sadd.s32 $0x80, s30;
	s28 =	sadd.s32 $0x1, s28;
	s29 =	smov.u32 s2  }
.LBB2_16:
0x11d: {  	v1 =	vld.msk [tilespmem:s28+$0x0], $0x1;
	_ =	sdelay $0x4  }
0x11e: {  	(v2sf) =	vpush v1, $0x0;
	_ =	sdelay $0xe  }
0x11f: {  	s2 =	spop (v2sf)  }
0x120: {  	p2 =	sne.s32 s29, s2  }
.Ltmp14:
0x121: {  	_ = 	snop;
	(pc) =	sbr.rel @!p2 .LBB2_17-.Ltmp14, $3  }
0x122: {  	_ =	sdelay $0x1  }
0x123: {  	s5 =	sshll.u32 s26, $0x8  }
0x124: {  	s5 =	sshra.s32 s5, $0x2  }
0x125: {  	p2 =	seq.s32 s29, s4  }
.Ltmp15:
0x126: {  	_ = 	snop;
	(pc) =	sbr.rel @!p2 .LBB2_19-.Ltmp15, $1  }
0x127: {  	_ =	sdelay $0x3  }
.Ltmp16:
0x128: {  	s5 =	sadd.s32 $0x88, s5;
	(pc) =	sbr.rel .LBB2_20-.Ltmp16, $4  }
0x129: {  	[spmem:s18] =	stream.linear.scatter [tilespmem:s5], [sflag:$0x1], $0x40, $0x38;
	[tilespmem:$0x1EF88] =	vst v63  }
0x12a: {  	_ =	swait.ge [sflag:s13], $0x40  }
0x12b: {  	[sflag:s13] =	ssyncset.done $0x0  }
0x12c: {  	[sflag:s13] =	ssyncadd.s32 $0xFFFFFFC0  }
.LBB2_19:
0x12d: {  	s7 =	sshll.u32 s0, $0x8  }
0x12e: {  	s7 =	sshra.s32 s7, $0x2  }
0x12f: {  	v1 =	vld [tilespmem:s7+$0x50C8];
	_ =	sdelay $0x4  }
0x130: {  	[tilespmem:s5+$0x88] =	vst.add.f32.msk $0xffff, v1  }
0x131: {  	v1 =	vld [tilespmem:s7+$0x50D8];
	_ =	sdelay $0x4  }
0x132: {  	[tilespmem:s5+$0x98] =	vst.add.f32.msk $0xffff, v1  }
0x133: {  	v1 =	vld [tilespmem:s7+$0x50E8];
	_ =	sdelay $0x4  }
0x134: {  	[tilespmem:s5+$0xA8] =	vst.add.f32.msk $0xffff, v1  }
0x135: {  	v1 =	vld [tilespmem:s7+$0x50F8];
	_ =	sdelay $0x2  }
0x136: {  	p2 =	sgt.u32 s29, $0xC34F8  }
0x137: {  	s7 =	sand.u32 @!p2 $0xFFFF8, s29  }
0x138: {  	s8 =	sadd.s32 $0x88, s5;
	[tilespmem:s5+$0xB8] =	vst.add.f32.msk $0xffff, v1;
	s5 =	sadd.s32 @!p2 s1, s7;
	s7 =	sand.u32 @!p2 $0x7, s29  }
0x139: {  	[hbm4b:s5+s7] =	stream.linear.scatter @!p2 [tilespmem:s8], [sflag:$0xC], $0x40, $0x38;
	[tilespmem:$0x1EF88] =	vst v63  }
0x13a: {  	s5 =	simm.s32 $0x0  }
0x13b: {  	s5 =	simm.s32 @!p2 $0x100  }
0x13c: {  	s3 =	sadd.s32 s5, s3  }
.LBB2_20:
0x13d: {  	s5 =	sadd.s32 $0x1, s26  }
0x13e: {  	s7 =	smulhi.u32 $0xCCCCCCCD, s5;
	_ =	sdelay $0x1  }
0x13f: {  	v1 =	vld [tilespmem:s30+$0xFFFFFFE0];
	s7 =	sshrl.u32 s7, $0x8  }
0x140: {  	s7 =	smul.u32 $0x140, s7;
	_ =	sdelay $0x1  }
0x141: {  	s26 =	ssub.s32 s5, s7  }
0x142: {  	s5 =	sshll.u32 s26, $0x6  }
0x143: {  	[tilespmem:s5+$0x88] =	vst v1  }
0x144: {  	v1 =	vld [tilespmem:s30+$0xFFFFFFF0];
	_ =	sdelay $0x4  }
0x145: {  	[tilespmem:s5+$0x98] =	vst v1  }
0x146: {  	v1 =	vld [tilespmem:s30+$0x0];
	_ =	sdelay $0x4  }
0x147: {  	[tilespmem:s5+$0xA8] =	vst v1  }
0x148: {  	v1 =	vld [tilespmem:s30+$0x10]  }
.Ltmp17:
0x149: {  	_ = 	snop;
	(pc) =	sbr.rel .LBB2_21-.Ltmp17, $2  }
0x14a: {  	_ =	sdelay $0x2  }
0x14b: {  	s0 =	sadd.s32 $0x1, s0;
	[tilespmem:s5+$0xB8] =	vst v1  }
.LBB2_23:
.Ltmp18:
0x14c: {  	(pc) =	sbr.rel .LBB2_24-.Ltmp18, $4  }
0x14d: {  	_ = 	snop  }
0x14e: {  	s0 =	simm.s32 $0x2  }
0x14f: {  	_ =	swait.ge [sflag:s0], $0x0  }
0x150: {  	s2 =	smov.u32 s29;
	[sflag:s0] =	ssyncset.done $0x0;
	s0 =	simm.s32 $0x0  }
.LBB2_26:
0x151: {  	_ =	sfence.sel $0x180000  }
0x152: {  	s0 =	simm.s32 $0x9;
	[bflag:$0x0] =	sbarrier.arrive $0xFFFF  }
0x153: {  	s24 =	simm.s32 $0xA;
	[sflag:s0] =	ssyncpa.u1 $0x1  }
0x154: {  	s25 =	simm.s32 $0xB;
	[sflag:s24] =	ssyncpa.u1 $0x1  }
0x155: {  	s26 =	simm.s32 $0x2;
	[sflag:s25] =	ssyncpa.u1 $0x1  }
0x156: {  	[sflag:s26] =	ssyncpa.u1 $0x1  }
0x157: {  	v0 =	vld [tilespmem:$0xA108];
	_ =	sdelay $0x4  }
0x158: {  	(v2sf) =	vpush v0, $0x0  }
0x159: {  	(v2sf) =	vpush v0, $0x1;
	_ =	sdelay $0x1  }
0x15a: {  	(v2sf) =	vpush v0, $0x2;
	_ =	sdelay $0xb  }
0x15b: {  	s0 =	spop (v2sf)  }
0x15c: {  	s2 =	spop (v2sf)  }
0x15d: {  	s3 =	smov.u32 s0;
	p0 =	sne.s32 s0, s2  }
0x15e: {  	s4 =	spop (v2sf);
	s3 =	simm.s32 @!p0 $0xFFFFFFFF  }
0x15f: {  	v2 =	vimm.s32 $0x1;
	v3 =	vlaneseq.u32;
	p0 =	seq.s32 s4, $0xFFFFFFFF;
	v1 =	vmov s3  }
0x160: {  	s14 =	stileid.u32;
	v0 =	vperm.xlane v0, v2;
	p1 =	sne.s32 @!p0 s0, s2;
	v1 =	vperm.xlane v1, v3  }
0x161: {  	vm0 =	vcmask $0x3F04;
	s6 =	simm.s32 $0xA108;
	s0 =	simm.s32 @!p0 $0x1;
	p1 =	por !p1, p0  }
0x162: {  	s3 =	sshll.u32 s14, $0x1;
	s2 =	sshll.u32 @!p0 s4, $0x8;
	s0 =	simm.s32 @p1 $0x0;
	v0 =	vsel vm0, v1, v0  }
0x163: {  	s5 =	sor.u32 $0x800, s3;
	s2 =	sshra.s32 @!p0 s2, $0x2;
	s0 =	sor.u32 @!p0 s0, s3;
	[tilespmem:$0xA108] =	vst v0  }
0x164: {  	[spmem:s5] =	stream.linear.scatter [tilespmem:s6], [sflag:$0x1], $0x2, $0x38;
	[tilespmem:$0x1EF88] =	vst v63  }
0x165: {  	s2 =	sadd.s32 @!p0 $0x88, s2;
	s0 =	sshll.u32 @!p0 s0, $0x6  }
0x166: {  	[spmem:s0] =	stream.linear.scatter @!p0 [tilespmem:s2], [sflag:$0x1], $0x40, $0x38;
	[tilespmem:$0x1EF88] =	vst v63  }
0x167: {  	s0 =	simm.s32 @!p0 $0x42  }
0x168: {  	s28 =	simm.s32 $0x1;
	s0 =	simm.s32 @p0 $0x2  }
0x169: {  	_ =	swait.ge [sflag:s28], s0  }
0x16a: {  	s0 =	ssub.s32 $0x0, s0;
	[sflag:s28] =	ssyncset.done $0x0  }
0x16b: {  	p0 =	sne.s32 s14, $0x0;
	[sflag:s28] =	ssyncadd.s32 s0  }
.Ltmp19:
0x16c: {  	_ =	sfence.stream.spmem;
	(pc) =	sbr.rel @p0 .LBB2_43-.Ltmp19, $4  }
0x16d: {  	s29 =	simm.s32 $0x3;
	[bflag:$0x0] =	sbarrier.arrive $0xFFFF  }
0x16e: {  	s30 =	simm.s32 $0x4;
	[sflag:s29] =	ssyncpa.u1 $0x1  }
0x16f: {  	s31 =	simm.s32 $0x3C;
	[sflag:s30] =	ssyncpa.u1 $0x1  }
0x170: {  	s13 =	rddreg [dreg:$0x5];
	[sflag:s31] =	ssyncpa.u1 $0x1  }
0x171: {  	_ =	sfence.stream.spmem;
	s0 =	simm.s32 $0x5  }
0x172: {  	s2 =	simm.s32 $0x800;
	s3 =	simm.s32 $0xA118;
	[sflag:s0] =	ssyncpa.u1 $0x0  }
0x173: {  	[tilespmem:s3], [sflag:$0x5] =	stream.linear.gather [spmem:s2], $0x20, $0x38;
	[tilespmem:$0x1EF88] =	vst v63  }
0x174: {  	s26 =	simm.s32 $0x0;
	s28 =	simm.s32 $0xA138  }
0x175: {  	[tilespmem:s28], [sflag:$0x5] =	stream.linear.gather [spmem:s26], $0x800, $0x38;
	[tilespmem:$0x1EF88] =	vst v63  }
0x176: {  	_ =	swait.ge [sflag:s0], $0x820  }
0x177: {  	[sflag:s0] =	ssyncset.done $0x0  }
0x178: {  	s29 =	simm.s32 $0x0;
	[sflag:s0] =	ssyncadd.s32 $0xFFFFF7E0  }
0x179: {  	v0 =	vld.msk [tilespmem:s29+$0xA118], $0x1;
	_ =	sdelay $0x1  }
0x17a: {  	s30 =	simm.s32 $0x1  }
0x17b: {  	v1 =	vld.msk [tilespmem:s30+$0xA118], $0x1;
	_ =	sdelay $0x1  }
0x17c: {  	(v2sf) =	vpush v0, $0x0;
	_ =	sdelay $0x2  }
0x17d: {  	(v2sf) =	vpush v1, $0x0;
	_ =	sdelay $0x2  }
0x17e: {  	s31 =	simm.s32 $0x2  }
0x17f: {  	v0 =	vld.msk [tilespmem:s31+$0xA118], $0x1;
	_ =	sdelay $0x2  }
0x180: {  	s2 =	simm.s32 $0xFFFFFFFF;
	s3 =	simm.s32 $0xFFFFFFFF;
	s0 =	simm.s32 $0xC  }
.LBB2_28:
0x181: {  	s4 =	smov.u32 s3;
	s5 =	smov.u32 s2  }
0x182: {  	s2 =	sshra.s32 s0, $0x2;
	p1 =	sne.s32 s0, $0x7C;
	s0 =	sadd.s32 $0x4, s0;
	(v2sf) =	vpush v0, $0x0  }
0x183: {  	v0 =	vld.msk [tilespmem:s2+$0xA118], $0x1  }
.Ltmp20:
0x184: {  	(pc) =	sbr.rel @p1 .LBB2_28-.Ltmp20, $4  }
0x185: {  	s3 =	spop (v2sf)  }
0x186: {  	p2 =	sne.s32 s5, $0xFFFFFFFF;
	s2 =	smov.u32 s3  }
0x187: {  	p3 =	seq.s32 s3, $0xFFFFFFFF;
	s2 =	smov.u32 @p2 s5  }
0x188: {  	s3 =	smov.u32 @p3 s4;
	s2 =	smov.u32 @p3 s5  }
0x189: {  	(v2sf) =	vpush v0, $0x0;
	_ =	sdelay $0x8  }
0x18a: {  	s0 =	spop (v2sf)  }
0x18b: {  	p1 =	sne.s32 s2, $0xFFFFFFFF;
	s4 =	smov.u32 s0  }
0x18c: {  	s6 =	simm.s32 $0x0;
	p2 =	seq.s32 s0, $0xFFFFFFFF;
	s4 =	smov.u32 @p1 s2  }
0x18d: {  	s9 =	simm.s32 $0xA0C8;
	s4 =	smov.u32 @p2 s2;
	s2 =	spop (v2sf)  }
0x18e: {  	s0 =	smov.u32 @p2 s3;
	p1 =	sne.s32 s4, $0xFFFFFFFF;
	s5 =	smov.u32 s2  }
.Ltmp21:
0x18f: {  	p2 =	seq.s32 s2, $0xFFFFFFFF;
	s5 =	smov.u32 @p1 s4;
	(pc) =	sbr.rel .LBB2_30-.Ltmp21, $4  }
0x190: {  	s10 =	simm.s32 $0x0;
	s5 =	smov.u32 @p2 s4;
	s7 =	spop (v2sf)  }
0x191: {  	s2 =	smov.u32 @p2 s0;
	p1 =	sne.s32 s5, $0xFFFFFFFF;
	s8 =	smov.u32 s7  }
0x192: {  	s0 =	simm.s32 $0x6;
	p2 =	seq.s32 s7, $0xFFFFFFFF;
	s8 =	smov.u32 @p1 s5  }
0x193: {  	[sflag:s0] =	ssyncpa.u1 $0x0;
	s7 =	smov.u32 @p2 s2;
	s8 =	smov.u32 @p2 s5  }
.LBB2_36:
0x194: {  	p1 =	sgt.u32 s2, $0xC34F8  }
0x195: {  	p2 =	seq.s32 @!p1 s2, s8  }
0x196: {  	p1 =	por p1, p2  }
0x197: {  	p2 =	sne.s32 @!p1 s2, s7  }
0x198: {  	p1 =	por p1, !p2  }
0x199: {  	s2 =	sshll.u32 @p1 s10, $0x8  }
0x19a: {  	s3 =	sand.u32 @!p1 $0xFFFF8, s2  }
0x19b: {  	s2 =	sand.u32 @!p1 $0x7, s2;
	s3 =	sadd.s32 @!p1 s1, s3  }
0x19c: {  	[tilespmem:s9], [sflag:$0x6] =	stream.linear.gather @!p1 [hbm4b:s3+s2], $0x40, $0x38;
	[tilespmem:$0x1EF88] =	vst v63  }
0x19d: {  	_ =	swait.ge @!p1 [sflag:s0], $0x40  }
0x19e: {  	[sflag:s0] =	ssyncset.done @!p1 $0x0  }
0x19f: {  	[sflag:s0] =	ssyncadd.s32 @!p1 $0xFFFFFFC0  }
0x1a0: {  	v1 =	vld @!p1 [tilespmem:$0xA0C8];
	_ =	sdelay $0x2  }
0x1a1: {  	s2 =	sshll.u32 @!p1 s10, $0x8  }
0x1a2: {  	s3 =	sshrl.u32 @!p1 s2, $0x2  }
0x1a3: {  	[tilespmem:s3+$0xA138] =	vst.add.f32.msk @!p1 $0xffff, v1  }
0x1a4: {  	v1 =	vld @!p1 [tilespmem:$0xA0D8];
	_ =	sdelay $0x4  }
0x1a5: {  	[tilespmem:s3+$0xA148] =	vst.add.f32.msk @!p1 $0xffff, v1  }
0x1a6: {  	v1 =	vld @!p1 [tilespmem:$0xA0E8];
	_ =	sdelay $0x4  }
0x1a7: {  	[tilespmem:s3+$0xA158] =	vst.add.f32.msk @!p1 $0xffff, v1  }
0x1a8: {  	v1 =	vld @!p1 [tilespmem:$0xA0F8];
	_ =	sdelay $0x4  }
0x1a9: {  	[tilespmem:s3+$0xA168] =	vst.add.f32.msk @!p1 $0xffff, v1  }
0x1aa: {  	s2 =	sshrl.u32 s2, $0x2;
	[tilespmem:s6+$0xA118] =	vst.msk $0x1, v0  }
0x1ab: {  	v0 =	vld [tilespmem:s2+$0xA138];
	_ =	sdelay $0x2  }
0x1ac: {  	s31 =	sshll.u32 s6, $0x8  }
0x1ad: {  	s3 =	sshra.s32 s31, $0x2  }
0x1ae: {  	[tilespmem:s3+$0xA138] =	vst v0  }
0x1af: {  	v0 =	vld [tilespmem:s2+$0xA148];
	_ =	sdelay $0x4  }
0x1b0: {  	[tilespmem:s3+$0xA148] =	vst v0  }
0x1b1: {  	v0 =	vld [tilespmem:s2+$0xA158];
	_ =	sdelay $0x4  }
0x1b2: {  	[tilespmem:s3+$0xA158] =	vst v0  }
0x1b3: {  	v0 =	vld [tilespmem:s2+$0xA168];
	_ =	sdelay $0x4  }
0x1b4: {  	s6 =	sadd.s32 $0x1, s6;
	[tilespmem:s3+$0xA168] =	vst v0  }
.LBB2_37:
0x1b5: {  	s10 =	sadd.s32 $0x1, s10  }
0x1b6: {  	p1 =	sne.s32 s10, $0x20  }
.Ltmp22:
0x1b7: {  	_ = 	snop;
	(pc) =	sbr.rel @!p1 .LBB2_38-.Ltmp22, $1  }
0x1b8: {  	_ =	sdelay $0x3  }
.LBB2_30:
0x1b9: {  	v0 =	vld.msk [tilespmem:s10+$0xA118], $0x1;
	_ =	sdelay $0x4  }
0x1ba: {  	(v2sf) =	vpush v0, $0x0;
	_ =	sdelay $0xe  }
0x1bb: {  	s2 =	spop (v2sf)  }
0x1bc: {  	p1 =	seq.s32 s2, $0xFFFFFFFF  }
.Ltmp23:
0x1bd: {  	_ = 	snop;
	(pc) =	sbr.rel @p1 .LBB2_37-.Ltmp23, $1  }
0x1be: {  	_ =	sdelay $0x3  }
0x1bf: {  	p1 =	slt.s32 s6, $0x1  }
.Ltmp24:
0x1c0: {  	_ = 	snop;
	(pc) =	sbr.rel @p1 .LBB2_36-.Ltmp24, $1  }
0x1c1: {  	_ =	sdelay $0x3  }
0x1c2: {  	s3 =	simm.s32 $0xA118;
	p1 =	por $0x0, $0x0  }
0x1c3: {  	v1 =	vld.msk @!p1 [tilespmem:s3+$0x0], $0x1;
	_ =	sdelay $0x4  }
0x1c4: {  	(v2sf) =	vpush @!p1 v1, $0x0;
	_ =	sdelay $0xd  }
0x1c5: {  	p3 =	sne.s32 s6, $0x1  }
.Ltmp25:
0x1c6: {  	s4 =	spop @!p1 (v2sf);
	(pc) =	sbr.rel @!p3 .LBB2_34-.Ltmp25, $4  }
0x1c7: {  	p2 =	seq.s32 @!p1 s2, s4  }
0x1c8: {  	s4 =	simm.s32 $0x0;
	p2 =	por !p2, p1  }
0x1c9: {  	s11 =	simm.s32 $0xFFFFFFFF;
	s4 =	simm.s32 @p2 $0xFFFFFFFF  }
0x1ca: {  	s5 =	simm.s32 $0x1;
	s4 =	smov.u32 @p1 s11  }
.LBB2_33:
0x1cb: {  	s11 =	smov.u32 s4;
	p1 =	sne.s32 s4, $0xFFFFFFFF  }
0x1cc: {  	s3 =	sadd.s32 $0x1, s3;
	s4 =	smov.u32 s5;
	s5 =	sadd.s32 $0x1, s5  }
0x1cd: {  	p2 =	sne.s32 s6, s5;
	v1 =	vld.msk @!p1 [tilespmem:s3+$0x0], $0x1;
	_ =	sdelay $0x4  }
0x1ce: {  	(v2sf) =	vpush @!p1 v1, $0x0;
	_ =	sdelay $0xe  }
.Ltmp26:
0x1cf: {  	s12 =	spop @!p1 (v2sf);
	(pc) =	sbr.rel @p2 .LBB2_33-.Ltmp26, $4  }
0x1d0: {  	p3 =	seq.s32 @!p1 s2, s12  }
0x1d1: {  	p3 =	por !p3, p1  }
0x1d2: {  	s4 =	simm.s32 @p3 $0xFFFFFFFF  }
0x1d3: {  	s4 =	smov.u32 @p1 s11  }
.LBB2_34:
0x1d4: {  	p1 =	seq.s32 s4, $0xFFFFFFFF  }
.Ltmp27:
0x1d5: {  	_ = 	snop;
	(pc) =	sbr.rel @p1 .LBB2_36-.Ltmp27, $1  }
0x1d6: {  	_ =	sdelay $0x3  }
0x1d7: {  	s2 =	sshll.u32 s10, $0x6  }
0x1d8: {  	s2 =	sand.u32 $0x3FFFFFC0, s2  }
0x1d9: {  	v0 =	vld [tilespmem:s2+$0xA138];
	_ =	sdelay $0x2  }
0x1da: {  	s3 =	sshll.u32 s4, $0x8  }
0x1db: {  	s3 =	sshra.s32 s3, $0x2  }
0x1dc: {  	[tilespmem:s3+$0xA138] =	vst.add.f32.msk $0xffff, v0  }
0x1dd: {  	v0 =	vld [tilespmem:s2+$0xA148];
	_ =	sdelay $0x4  }
0x1de: {  	[tilespmem:s3+$0xA148] =	vst.add.f32.msk $0xffff, v0  }
0x1df: {  	v0 =	vld [tilespmem:s2+$0xA158];
	_ =	sdelay $0x4  }
0x1e0: {  	[tilespmem:s3+$0xA158] =	vst.add.f32.msk $0xffff, v0  }
0x1e1: {  	v0 =	vld [tilespmem:s2+$0xA168]  }
.Ltmp28:
0x1e2: {  	_ = 	snop;
	(pc) =	sbr.rel .LBB2_37-.Ltmp28, $2  }
0x1e3: {  	_ =	sdelay $0x2  }
0x1e4: {  	[tilespmem:s3+$0xA168] =	vst.add.f32.msk $0xffff, v0  }
.LBB2_38:
0x1e5: {  	s0 =	simm.s32 $0x6;
	p1 =	seq.s32 s6, $0x0  }
0x1e6: {  	[sflag:s0] =	ssyncpa.u1 $0x1;
	v0 =	vimm.s32 @p1 $0xFFFFFFFF  }
0x1e7: {  	s0 =	sadd.s32 $0xFFFFFFFF, s6;
	[tilespmem:$0xA938] =	vst @p1 v0  }
0x1e8: {  	v0 =	vld.msk @!p1 [tilespmem:s0+$0xA118], $0x1;
	_ =	sdelay $0x1  }
0x1e9: {  	v1 =	vld.msk @!p1 [tilespmem:$0xA118], $0x1;
	_ =	sdelay $0x2  }
0x1ea: {  	p2 =	seq.s32 @!p1 s0, $0x0;
	v0 =	vbroadcast @!p1 v0, $0x0  }
0x1eb: {  	vm0 =	vmmov @!p1 $0x1;
	p2 =	por !p2, p1  }
0x1ec: {  	v1 =	vnsel @!p1 vm0, $0xFFFFFFFF, v1;
	vm0 =	vcmask @!p1 $0x308;
	v0 =	vpsel !p2, $0xFFFFFFFF, v0  }
0x1ed: {  	p2 =	sne.s32 @!p1 s8, s7;
	v0 =	vsel @!p1 vm0, v1, v0  }
0x1ee: {  	s2 =	simm.s32 @!p1 $0xA138;
	s3 =	simm.s32 @!p1 $0x0;
	p3 =	por !p2, p1;
	[tilespmem:$0xA938] =	vst @!p1 v0  }
0x1ef: {  	[spmem:s3] =	stream.linear.scatter @!p1 [tilespmem:s2], [sflag:$0x1], $0x40, $0x38;
	[tilespmem:$0x1EF88] =	vst v63  }
0x1f0: {  	s2 =	sshll.u32 @!p3 s0, $0x8  }
0x1f1: {  	s2 =	sshra.s32 @!p3 s2, $0x2  }
0x1f2: {  	s3 =	simm.s32 @!p3 $0x40;
	s2 =	sadd.s32 @!p3 $0xA138, s2  }
0x1f3: {  	[spmem:s3] =	stream.linear.scatter @!p3 [tilespmem:s2], [sflag:$0x1], $0x40, $0x38;
	[tilespmem:$0x1EF88] =	vst v63  }
0x1f4: {  	s2 =	simm.s32 @!p3 $0x1  }
0x1f5: {  	_ =	swait.ge @!p3 [sflag:s2], $0x80  }
0x1f6: {  	p1 =	por p2, p1;
	[sflag:s2] =	ssyncset.done @!p3 $0x0  }
0x1f7: {  	[sflag:s2] =	ssyncadd.s32 @!p3 $0xFFFFFF80;
	s2 =	simm.s32 @!p1 $0x1  }
0x1f8: {  	_ =	swait.ge @!p1 [sflag:s2], $0x40  }
0x1f9: {  	s29 =	simm.s32 $0xA938;
	[sflag:s2] =	ssyncset.done @!p1 $0x0  }
0x1fa: {  	s30 =	simm.s32 $0x800;
	s31 =	simm.s32 $0x1;
	[sflag:s2] =	ssyncadd.s32 @!p1 $0xFFFFFFC0  }
0x1fb: {  	[spmem:s30] =	stream.linear.scatter [tilespmem:s29], [sflag:$0x1], $0x10, $0x38;
	[tilespmem:$0x1EF88] =	vst v63  }
0x1fc: {  	_ =	swait.ge [sflag:s31], $0x10  }
0x1fd: {  	[sflag:s31] =	ssyncset.done $0x0  }
0x1fe: {  	p1 =	seq.s32 s13, $0x0;
	s9 =	rddreg [dreg:$0x2];
	[sflag:s31] =	ssyncadd.s32 $0xFFFFFFF0  }
0x1ff: {  	s3 =	sshll.u32 @p1 s9, $0xE;
	s8 =	rddreg [dreg:$0x3]  }
0x200: {  	s2 =	sadd.s32 @p1 $0x15C3C, s3;
	s3 =	sshll.u32 @p1 s8, $0x11  }
0x201: {  	_ =	sfence.stream.spmem;
	s2 =	sor.u32 @p1 s3, s2  }
0x202: {  	[sflag:s2] =	ssyncadd.remote.s32 @p1 $0x1;
	s2 =	simm.s32 @p1 $0x4  }
0x203: {  	s4 =	simm.s32 @!p1 $0x3C;
	s3 =	sand.u32 $0xFFFFFFFE, s9;
	_ =	swait.ge @p1 [sflag:s2], $0x12  }
0x204: {  	s5 =	simm.s32 @!p1 $0x0;
	s3 =	sadd.s32 @!p1 $0x4, s3;
	[sflag:s2] =	ssyncset.done @p1 $0x0  }
0x205: {  	s7 =	simm.s32 @!p1 $0x80;
	[sflag:s2] =	ssyncadd.s32 @p1 $0xFFFFFFEE;
	s2 =	sshll.u32 @!p1 s3, $0x1A  }
0x206: {  	s3 =	sshll.u32 @!p1 s3, $0xD;
	s2 =	sor.u32 @!p1 s2, s8;
	_ =	swait.eq @!p1 [sflag:s4], $0x1  }
0x207: {  	s3 =	sor.u32 @!p1 $0x1C04, s3;
	s4 =	simm.s32 @!p1 $0x1C03;
	s2 =	sor.u32 @!p1 $0x80004000, s2  }
0x208: {  	[spmem:s7], [sflag:s3] =	dma.general @!p1 [spmem:s5], [sflag:s4], length:$0x10, [dreg:$0x0], stride_count:$0x0, ici_dest:s2, dma_misc:DstOpCode:WRITE  }
0x209: {  	p2 =	slt.s32 s0, $0x2;
	s5 =	simm.s32 @!p1 $0x100;
	s7 =	simm.s32 @!p1 $0x102  }
0x20a: {  	[spmem:s7], [sflag:s3] =	dma.general @!p1 [spmem:s5], [sflag:s4], length:$0x2, [dreg:$0x0], stride_count:$0x0, ici_dest:s2, dma_misc:DstOpCode:WRITE  }
.Ltmp29:
0x20b: {  	s2 =	simm.s32 @!p1 $0x3;
	(pc) =	sbr.rel @p2 .LBB2_42-.Ltmp29, $4  }
0x20c: {  	s3 =	sshll.u32 @!p1 s9, $0xE;
	_ =	swait.ge @!p1 [sflag:s2], $0x12  }
0x20d: {  	s4 =	sshll.u32 @!p1 s8, $0x11;
	s3 =	sadd.s32 @!p1 $0x11C3C, s3;
	[sflag:s2] =	ssyncset.done @!p1 $0x0  }
0x20e: {  	[sflag:s2] =	ssyncadd.s32 @!p1 $0xFFFFFFEE;
	s2 =	sor.u32 @!p1 s4, s3  }
0x20f: {  	s0 =	simm.s32 $0x0;
	[sflag:s2] =	ssyncadd.remote.s32 @!p1 $0xFFFFFFFF  }
0x210: {  	s0 =	simm.s32 $0xA119  }
0x211: {  	v0 =	vld.msk [tilespmem:s0+$0x0], $0x1;
	_ =	sdelay $0x4  }
0x212: {  	(v2sf) =	vpush v0, $0x0;
	_ =	sdelay $0xc  }
0x213: {  	s2 =	sadd.s32 $0xFFFFFFFE, s6  }
0x214: {  	s2 =	sadd.s32 $0xFFFFFFFF, s2  }
0x215: {  	p2 =	sne.s32 s2, $0x0;
	s3 =	spop (v2sf)  }
.Ltmp30:
0x216: {  	p1 =	sgt.u32 s3, $0xC34F8;
	(pc) =	sbr.rel @!p2 .LBB2_41-.Ltmp30, $4  }
0x217: {  	s5 =	simm.s32 $0x0;
	s4 =	sand.u32 @!p1 $0xFFFF8, s3  }
0x218: {  	s0 =	simm.s32 $0xA178;
	s3 =	sand.u32 @!p1 $0x7, s3;
	s4 =	sadd.s32 @!p1 s1, s4  }
0x219: {  	[hbm4b:s4+s3] =	stream.linear.scatter @!p1 [tilespmem:s0], [sflag:$0x5], $0x40, $0x38;
	[tilespmem:$0x1EF88] =	vst v63  }
0x21a: {  	s5 =	simm.s32 @!p1 $0x100;
	s3 =	simm.s32 $0x0;
	s4 =	simm.s32 $0xA11A  }
.LBB2_40:
0x21b: {  	v0 =	vld.msk [tilespmem:s4+$0x0], $0x1;
	s2 =	sadd.s32 $0xFFFFFFFF, s2;
	s3 =	sadd.s32 s3, s5  }
0x21c: {  	p1 =	sne.s32 s2, $0x0;
	_ =	sdelay $0x3  }
0x21d: {  	(v2sf) =	vpush v0, $0x0;
	_ =	sdelay $0xe  }
.Ltmp31:
0x21e: {  	s6 =	spop (v2sf);
	(pc) =	sbr.rel @p1 .LBB2_40-.Ltmp31, $4  }
0x21f: {  	s5 =	simm.s32 $0x0;
	p2 =	sgt.u32 s6, $0xC34F8  }
0x220: {  	s0 =	sadd.s32 $0x40, s0;
	s5 =	simm.s32 @!p2 $0x100;
	s7 =	sand.u32 @!p2 $0xFFFF8, s6  }
0x221: {  	s4 =	sadd.s32 $0x1, s4;
	s6 =	sand.u32 @!p2 $0x7, s6;
	s7 =	sadd.s32 @!p2 s1, s7  }
0x222: {  	[hbm4b:s7+s6] =	stream.linear.scatter @!p2 [tilespmem:s0], [sflag:$0x5], $0x40, $0x38;
	[tilespmem:$0x1EF88] =	vst v63  }
.LBB2_41:
0x223: {  	s0 =	sadd.s32 s3, s5  }
0x224: {  	s0 =	sshrl.u32 s0, $0x2  }
.LBB2_42:
0x225: {  	s2 =	simm.s32 $0x5  }
0x226: {  	_ =	swait.ge [sflag:s2], s0  }
0x227: {  	s31 =	ssub.s32 $0x0, s0;
	[sflag:s2] =	ssyncset.done $0x0  }
0x228: {  	[sflag:s2] =	ssyncadd.s32 s31  }
0x229: {  	[sflag:s2] =	ssyncpa.u1 $0x1  }
.LBB2_43:
0x22a: {  	s0 =	sor.u32 s13, s14  }
0x22b: {  	p1 =	sne.s32 s0, $0x0  }
.Ltmp32:
0x22c: {  	_ = 	snop;
	(pc) =	sbr.rel @p1 .LBB2_58-.Ltmp32, $3  }
0x22d: {  	_ =	sdelay $0x1  }
0x22e: {  	[bflag:$0x0] =	sbarrier.arrive $0xFFFF  }
0x22f: {  	_ =	sfence  }
0x230: {  	s2 =	simm.s32 $0x7  }
0x231: {  	s0 =	simm.s32 $0x800;
	s3 =	simm.s32 $0xA118;
	[sflag:s2] =	ssyncpa.u1 $0x0  }
0x232: {  	[tilespmem:s3], [sflag:$0x7] =	stream.linear.gather [spmem:s0], $0x20, $0x38;
	[tilespmem:$0x1EF88] =	vst v63  }
0x233: {  	s30 =	simm.s32 $0xA138;
	s0 =	simm.s32 $0x0  }
0x234: {  	[tilespmem:s30], [sflag:$0x7] =	stream.linear.gather [spmem:s0], $0x800, $0x38;
	[tilespmem:$0x1EF88] =	vst v63  }
.Ltmp33:
0x235: {  	_ = 	snop;
	(pc) =	sbr.rel .LBB2_45-.Ltmp33, $4  }
0x236: {  	_ =	swait.ge [sflag:s2], $0x820  }
0x237: {  	[sflag:s2] =	ssyncset.done $0x0  }
0x238: {  	s31 =	simm.s32 $0x8;
	[sflag:s2] =	ssyncadd.s32 $0xFFFFF7E0  }
0x239: {  	s2 =	simm.s32 $0x0;
	[sflag:s31] =	ssyncpa.u1 $0x0  }
.LBB2_51:
0x23a: {  	p1 =	slt.u32 s3, $0xC34F9  }
0x23b: {  	s4 =	sand.u32 @p1 $0xFFFF8, s3  }
0x23c: {  	s3 =	sand.u32 @p1 $0x7, s3;
	s5 =	simm.s32 @p1 $0xA0C8;
	s4 =	sadd.s32 @p1 s1, s4  }
0x23d: {  	[tilespmem:s5], [sflag:$0x8] =	stream.linear.gather @p1 [hbm4b:s4+s3], $0x40, $0x38;
	[tilespmem:$0x1EF88] =	vst v63  }
0x23e: {  	s3 =	simm.s32 @p1 $0x8  }
0x23f: {  	_ =	swait.ge @p1 [sflag:s3], $0x40  }
0x240: {  	[sflag:s3] =	ssyncset.done @p1 $0x0  }
0x241: {  	[sflag:s3] =	ssyncadd.s32 @p1 $0xFFFFFFC0  }
0x242: {  	v1 =	vld @p1 [tilespmem:$0xA0C8];
	_ =	sdelay $0x2  }
0x243: {  	s3 =	sshll.u32 @p1 s2, $0x8  }
0x244: {  	s4 =	sshrl.u32 @p1 s3, $0x2  }
0x245: {  	[tilespmem:s4+$0xA138] =	vst.add.f32.msk @p1 $0xffff, v1  }
0x246: {  	v1 =	vld @p1 [tilespmem:$0xA0D8];
	_ =	sdelay $0x4  }
0x247: {  	[tilespmem:s4+$0xA148] =	vst.add.f32.msk @p1 $0xffff, v1  }
0x248: {  	v1 =	vld @p1 [tilespmem:$0xA0E8];
	_ =	sdelay $0x4  }
0x249: {  	[tilespmem:s4+$0xA158] =	vst.add.f32.msk @p1 $0xffff, v1  }
0x24a: {  	v1 =	vld @p1 [tilespmem:$0xA0F8];
	_ =	sdelay $0x3  }
0x24b: {  	s5 =	sshll.u32 @!p1 s2, $0x8  }
0x24c: {  	s5 =	smov.u32 @p1 s3;
	[tilespmem:s4+$0xA168] =	vst.add.f32.msk @p1 $0xffff, v1  }
0x24d: {  	s3 =	sshrl.u32 s5, $0x2;
	[tilespmem:s0+$0xA118] =	vst.msk $0x1, v0  }
0x24e: {  	v0 =	vld [tilespmem:s3+$0xA138];
	_ =	sdelay $0x2  }
0x24f: {  	s31 =	sshll.u32 s0, $0x8  }
0x250: {  	s4 =	sshra.s32 s31, $0x2  }
0x251: {  	[tilespmem:s4+$0xA138] =	vst v0  }
0x252: {  	v0 =	vld [tilespmem:s3+$0xA148];
	_ =	sdelay $0x4  }
0x253: {  	[tilespmem:s4+$0xA148] =	vst v0  }
0x254: {  	v0 =	vld [tilespmem:s3+$0xA158];
	_ =	sdelay $0x4  }
0x255: {  	[tilespmem:s4+$0xA158] =	vst v0  }
0x256: {  	v0 =	vld [tilespmem:s3+$0xA168];
	_ =	sdelay $0x4  }
0x257: {  	s0 =	sadd.s32 $0x1, s0;
	[tilespmem:s4+$0xA168] =	vst v0  }
.LBB2_52:
0x258: {  	s2 =	sadd.s32 $0x1, s2  }
0x259: {  	p1 =	sne.s32 s2, $0x20  }
.Ltmp34:
0x25a: {  	_ = 	snop;
	(pc) =	sbr.rel @!p1 .LBB2_53-.Ltmp34, $1  }
0x25b: {  	_ =	sdelay $0x3  }
.LBB2_45:
0x25c: {  	v0 =	vld.msk [tilespmem:s2+$0xA118], $0x1;
	_ =	sdelay $0x4  }
0x25d: {  	(v2sf) =	vpush v0, $0x0;
	_ =	sdelay $0xe  }
0x25e: {  	s3 =	spop (v2sf)  }
0x25f: {  	p1 =	seq.s32 s3, $0xFFFFFFFF  }
.Ltmp35:
0x260: {  	_ = 	snop;
	(pc) =	sbr.rel @p1 .LBB2_52-.Ltmp35, $1  }
0x261: {  	_ =	sdelay $0x3  }
0x262: {  	p1 =	slt.s32 s0, $0x1  }
.Ltmp36:
0x263: {  	_ = 	snop;
	(pc) =	sbr.rel @p1 .LBB2_51-.Ltmp36, $1  }
0x264: {  	_ =	sdelay $0x3  }
0x265: {  	s4 =	simm.s32 $0xA118;
	p1 =	por $0x0, $0x0  }
0x266: {  	v1 =	vld.msk @!p1 [tilespmem:s4+$0x0], $0x1;
	_ =	sdelay $0x4  }
0x267: {  	(v2sf) =	vpush @!p1 v1, $0x0;
	_ =	sdelay $0xd  }
0x268: {  	p3 =	sne.s32 s0, $0x1  }
.Ltmp37:
0x269: {  	s5 =	spop @!p1 (v2sf);
	(pc) =	sbr.rel @!p3 .LBB2_49-.Ltmp37, $4  }
0x26a: {  	p2 =	seq.s32 @!p1 s3, s5  }
0x26b: {  	s5 =	simm.s32 $0x0;
	p2 =	por !p2, p1  }
0x26c: {  	s7 =	simm.s32 $0xFFFFFFFF;
	s5 =	simm.s32 @p2 $0xFFFFFFFF  }
0x26d: {  	s6 =	simm.s32 $0x1;
	s5 =	smov.u32 @p1 s7  }
.LBB2_48:
0x26e: {  	s7 =	smov.u32 s5;
	p1 =	sne.s32 s5, $0xFFFFFFFF  }
0x26f: {  	s4 =	sadd.s32 $0x1, s4;
	s5 =	smov.u32 s6;
	s6 =	sadd.s32 $0x1, s6  }
0x270: {  	p2 =	sne.s32 s0, s6;
	v1 =	vld.msk @!p1 [tilespmem:s4+$0x0], $0x1;
	_ =	sdelay $0x4  }
0x271: {  	(v2sf) =	vpush @!p1 v1, $0x0;
	_ =	sdelay $0xe  }
.Ltmp38:
0x272: {  	s8 =	spop @!p1 (v2sf);
	(pc) =	sbr.rel @p2 .LBB2_48-.Ltmp38, $4  }
0x273: {  	p3 =	seq.s32 @!p1 s3, s8  }
0x274: {  	p3 =	por !p3, p1  }
0x275: {  	s5 =	simm.s32 @p3 $0xFFFFFFFF  }
0x276: {  	s5 =	smov.u32 @p1 s7  }
.LBB2_49:
0x277: {  	p1 =	seq.s32 s5, $0xFFFFFFFF  }
.Ltmp39:
0x278: {  	_ = 	snop;
	(pc) =	sbr.rel @p1 .LBB2_51-.Ltmp39, $1  }
0x279: {  	_ =	sdelay $0x3  }
0x27a: {  	s3 =	sshll.u32 s2, $0x6  }
0x27b: {  	s3 =	sand.u32 $0x3FFFFFC0, s3  }
0x27c: {  	v0 =	vld [tilespmem:s3+$0xA138];
	_ =	sdelay $0x2  }
0x27d: {  	s4 =	sshll.u32 s5, $0x8  }
0x27e: {  	s4 =	sshra.s32 s4, $0x2  }
0x27f: {  	[tilespmem:s4+$0xA138] =	vst.add.f32.msk $0xffff, v0  }
0x280: {  	v0 =	vld [tilespmem:s3+$0xA148];
	_ =	sdelay $0x4  }
0x281: {  	[tilespmem:s4+$0xA148] =	vst.add.f32.msk $0xffff, v0  }
0x282: {  	v0 =	vld [tilespmem:s3+$0xA158];
	_ =	sdelay $0x4  }
0x283: {  	[tilespmem:s4+$0xA158] =	vst.add.f32.msk $0xffff, v0  }
0x284: {  	v0 =	vld [tilespmem:s3+$0xA168]  }
.Ltmp40:
0x285: {  	_ = 	snop;
	(pc) =	sbr.rel .LBB2_52-.Ltmp40, $2  }
0x286: {  	_ =	sdelay $0x2  }
0x287: {  	[tilespmem:s4+$0xA168] =	vst.add.f32.msk $0xffff, v0  }
.LBB2_53:
0x288: {  	p1 =	slt.s32 s0, $0x1  }
.Ltmp41:
0x289: {  	_ = 	snop;
	(pc) =	sbr.rel @p1 .LBB2_57-.Ltmp41, $3  }
0x28a: {  	_ =	sdelay $0x1  }
0x28b: {  	s2 =	simm.s32 $0x8  }
0x28c: {  	[sflag:s2] =	ssyncpa.u1 $0x1;
	s2 =	simm.s32 $0x0  }
0x28d: {  	s3 =	simm.s32 $0xA118  }
0x28e: {  	v0 =	vld.msk [tilespmem:s3+$0x0], $0x1;
	_ =	sdelay $0x4  }
0x28f: {  	(v2sf) =	vpush v0, $0x0;
	_ =	sdelay $0xe  }
0x290: {  	s0 =	sadd.s32 $0xFFFFFFFF, s0;
	s4 =	spop (v2sf)  }
0x291: {  	p2 =	sne.s32 s0, $0x0;
	p1 =	sgt.u32 s4, $0xC34F8  }
.Ltmp42:
0x292: {  	s5 =	sand.u32 @!p1 $0xFFFF8, s4;
	(pc) =	sbr.rel @!p2 .LBB2_56-.Ltmp42, $4  }
0x293: {  	s3 =	simm.s32 $0xA138;
	s4 =	sand.u32 @!p1 $0x7, s4;
	s5 =	sadd.s32 @!p1 s1, s5  }
0x294: {  	[hbm4b:s5+s4] =	stream.linear.scatter @!p1 [tilespmem:s3], [sflag:$0x7], $0x40, $0x38;
	[tilespmem:$0x1EF88] =	vst v63  }
0x295: {  	s5 =	simm.s32 $0x0  }
0x296: {  	s4 =	simm.s32 $0xA119;
	s5 =	simm.s32 @!p1 $0x100  }
.LBB2_55:
0x297: {  	v0 =	vld.msk [tilespmem:s4+$0x0], $0x1;
	s0 =	sadd.s32 $0xFFFFFFFF, s0;
	s2 =	sadd.s32 s2, s5  }
0x298: {  	p1 =	sne.s32 s0, $0x0;
	_ =	sdelay $0x3  }
0x299: {  	(v2sf) =	vpush v0, $0x0;
	_ =	sdelay $0xe  }
.Ltmp43:
0x29a: {  	s6 =	spop (v2sf);
	(pc) =	sbr.rel @p1 .LBB2_55-.Ltmp43, $4  }
0x29b: {  	s5 =	simm.s32 $0x0;
	p2 =	sgt.u32 s6, $0xC34F8  }
0x29c: {  	s3 =	sadd.s32 $0x40, s3;
	s5 =	simm.s32 @!p2 $0x100;
	s7 =	sand.u32 @!p2 $0xFFFF8, s6  }
0x29d: {  	s4 =	sadd.s32 $0x1, s4;
	s6 =	sand.u32 @!p2 $0x7, s6;
	s7 =	sadd.s32 @!p2 s1, s7  }
0x29e: {  	[hbm4b:s7+s6] =	stream.linear.scatter @!p2 [tilespmem:s3], [sflag:$0x7], $0x40, $0x38;
	[tilespmem:$0x1EF88] =	vst v63  }
.LBB2_56:
0x29f: {  	s0 =	sadd.s32 s2, s5  }
0x2a0: {  	s2 =	sshrl.u32 s0, $0x2  }
.LBB2_57:
0x2a1: {  	s0 =	simm.s32 $0x7  }
0x2a2: {  	_ =	swait.ge [sflag:s0], s2  }
0x2a3: {  	s1 =	ssub.s32 $0x0, s2;
	[sflag:s0] =	ssyncset.done $0x0  }
0x2a4: {  	[sflag:s0] =	ssyncadd.s32 s1  }
0x2a5: {  	[sflag:s0] =	ssyncpa.u1 $0x1  }
.LBB2_58:
0x2a6: {  	_ =	sfence;
	s0 =	simm.s32 $0x1  }
0x2a7: {  	[sflag:s0] =	ssyncpa.u1 $0x1  }
0x2a8: {  	_ =	strace $0x9000004D  }
0x2a9: {  	[bflag:$0x2] =	sbarrier.arrive $0xFFFF  }
0x2aa: {  	s0 =	rddreg [dreg:$0x4]  }
0x2ab: {  	s0 =	sadd.s32 @!p0 $0x100000, s0  }
0x2ac: {  	[sflag:s0] =	ssyncadd.tile.s32 @!p0 $0x1;
	_ =	shalt  }
.Lfunc_end2:
_tile_overlayer_lowered:
.L_overlay_start_2:
0x2ad: {  	(tag) =	ssettag $0x2  }
0x2ae: {  	s0 =	rddreg [dreg:$0x0];
	s2 =	stileid.u32  }
0x2af: {  	s1 =	rddreg [dreg:$0x1];
	p0 =	sne.s32 s2, $0x0  }
0x2b0: {  	s3 =	rddreg [dreg:$0x2];
	[bflag:$0x3] =	sbarrier.arrive $0xFFFF;
	s2 =	simm.s32 @!p0 $0x1C01  }
0x2b1: {  	[timem:s3], [sflag:s2] =	dma.local @!p0 [hbm:s0], s1  }
0x2b2: {  	s0 =	simm.s32 @!p0 $0x1  }
0x2b3: {  	_ =	swait.ge @!p0 [sflag:s0], s1  }
0x2b4: {  	s1 =	ssub.s32 @!p0 $0x0, s1;
	[sflag:s0] =	ssyncset.done @!p0 $0x0  }
0x2b5: {  	[sflag:s0] =	ssyncadd.s32 @!p0 s1  }
0x2b6: {  	[bflag:$0x3] =	sbarrier.arrive $0xFFFF  }
0x2b7: {  	_ =	shalt  }

// kernel: scatter_offload_async_start
scs
__scs_entry_jumppad:
0x0: {  	(pc) =	sbr.rel $0x88, $3  }
0x1: {  	(tag) =	ssettag $0x0;
	lr =	simm.s32 $0x1  }
0x2: {  	[smem:$0x3F90] =	sst lr;
	_ =	strace $0xD0000000  }
0x3: {  	_ = 	snop  }
0x4: {  	_ = 	snop  }
0x5: {  	_ = 	snop  }
0x6: {  	_ = 	snop  }
0x7: {  	_ = 	snop  }
__scs_overlays_trampoline_lowered:
0x8: {  	[smem:$0x3F9F] =	sst s0  }
0x9: {  	[smem:$0x3FA0] =	sst s1  }
0xa: {  	[smem:$0x3FA1] =	sst s2  }
0xb: {  	[smem:$0x3FA2] =	sst s3  }
0xc: {  	[smem:$0x3FA3] =	sst s4  }
0xd: {  	[smem:$0x3FA4] =	sst s5  }
0xe: {  	[smem:$0x3FA5] =	sst s6  }
0xf: {  	[smem:$0x3FA6] =	sst s7  }
0x10: {  	[smem:$0x3FA7] =	sst s8  }
0x11: {  	[smem:$0x3FA8] =	sst s9;
	s0 =	simm.s32 @!p0 $0x0  }
0x12: {  	s1 =	sld [smem:$0x3F8E];
	s0 =	simm.s32 @p0 $0x1  }
0x13: {  	[smem:$0x3FA9] =	sst s0;
	s0 =	simm.s32 @!p1 $0x0  }
0x14: {  	s2 =	sld [smem:$0x3F8D];
	s0 =	simm.s32 @p1 $0x1  }
0x15: {  	[smem:$0x3FAA] =	sst s0;
	s0 =	simm.s32 @!p2 $0x0  }
0x16: {  	s3 =	sld [smem:$0x3FDB];
	s0 =	simm.s32 @p2 $0x1  }
0x17: {  	s4 =	simm.s32 $0x1BF5;
	[smem:$0x3FAC] =	sst s0  }
0x18: {  	s0 =	sld [smem:$0x3F8F];
	_ =	swait.ge [sflag:s4], $0x0  }
0x19: {  	s7 =	sld [smem:$0x3F90]  }
0x1a: {  	s8 =	sadd.s32 $0xFFFFE003, lr  }
0x1b: {  	s9 =	sadd.s32 $0xFFFFFEF7, lr;
	s5 =	simm.s32 $0xFFFFFFFF;
	p2 =	slt.u32 s8, $0xFFFFF086  }
0x1c: {  	p1 =	slt.u32 s9, $0xF7A;
	s5 =	simm.s32 @!p2 $0x0  }
0x1d: {  	s5 =	simm.s32 @p1 $0x1;
	p0 =	seq.s32 s7, s2  }
0x1e: {  	s7 =	smul.u32 @!p0 $0xF7A, s2;
	p2 =	seq.s32 @!p0 s5, $0x0  }
0x1f: {  	s9 =	smul.u32 $0xF7A, s1;
	s8 =	simm.s32 @!p0 $0x1BF5;
	p2 =	por !p2, p0  }
0x20: {  	[sflag:s8] =	ssyncset.s32 @!p0 $0xFFFFF086;
	s6 =	sadd.s32 @!p0 s3, s7;
	s7 =	simm.s32 @!p0 $0x108  }
0x21: {  	s3 =	sadd.s32 s3, s9;
	s6 =	sadd.s32 @!p0 $0x88, s6;
	s7 =	simm.s32 @p2 $0x1082  }
0x22: {  	[simem:s7], [sflag:s8] =	dma.local @!p0 [hbm:s6], $0xF7A  }
0x23: {  	s9 =	sor.u32 $0xD0000000, s2;
	s6 =	simm.s32 $0x108;
	_ =	swait.ge @!p0 [sflag:s8], $0x0  }
0x24: {  	s3 =	sadd.s32 $0x88, s3;
	s6 =	simm.s32 @!p1 $0x1082;
	[sflag:s4] =	ssyncset.s32 $0xFFFFF086  }
0x25: {  	[simem:s6], [sflag:s4] =	dma.local [hbm:s3], $0xF7A  }
0x26: {  	[smem:$0x3F90] =	sst s1;
	(tag) =	ssettag s2;
	_ =	strace s9  }
0x27: {  	s1 =	sld [smem:$0x3FA0]  }
0x28: {  	s2 =	sld [smem:$0x3FA1]  }
0x29: {  	s4 =	sld [smem:$0x3FA3]  }
0x2a: {  	p0 =	seq.s32 s5, $0x0;
	s5 =	sld [smem:$0x3FA4]  }
0x2b: {  	s6 =	sld [smem:$0x3FA5]  }
0x2c: {  	s7 =	sld [smem:$0x3FA6]  }
0x2d: {  	s3 =	simm.s32 $0x108;
	s8 =	sld [smem:$0x3FA7]  }
0x2e: {  	s3 =	simm.s32 @!p0 $0x1082;
	s9 =	sld [smem:$0x3FA8]  }
0x2f: {  	lr =	sadd.s32 s0, s3;
	s0 =	sld [smem:$0x3F9F]  }
0x30: {  	s3 =	sld [smem:$0x3FA2]  }
0x31: {  	[smem:$0x3FAB] =	sst s10  }
0x32: {  	s10 =	sld [smem:$0x3FA9];
	_ =	sdelay $0x3  }
0x33: {  	p0 =	seq.s32 s10, $0x1;
	s10 =	sld [smem:$0x3FAB];
	_ =	sdelay $0x3  }
0x34: {  	[smem:$0x3FAB] =	sst s10  }
0x35: {  	s10 =	sld [smem:$0x3FAA];
	_ =	sdelay $0x3  }
0x36: {  	p1 =	seq.s32 s10, $0x1;
	s10 =	sld [smem:$0x3FAB];
	_ =	sdelay $0x3  }
0x37: {  	[smem:$0x3FAB] =	sst s10  }
0x38: {  	s10 =	sld [smem:$0x3FAC]  }
0x39: {  	_ = 	snop;
	(pc) =	sbr.ind lr, $3  }
0x3a: {  	_ = 	snop  }
0x3b: {  	_ = 	snop  }
0x3c: {  	p2 =	seq.s32 s10, $0x1;
	s10 =	sld [smem:$0x3FAB]  }
0x3d: {  	_ =	shalt  }
0x3e: {  	_ =	shalt  }
0x3f: {  	_ =	shalt  }
0x40: {  	_ =	shalt  }
0x41: {  	_ =	shalt  }
0x42: {  	_ =	shalt  }
0x43: {  	_ =	shalt  }
0x44: {  	_ =	shalt  }
0x45: {  	_ =	shalt  }
0x46: {  	_ =	shalt  }
0x47: {  	_ =	shalt  }
0x48: {  	_ =	shalt  }
0x49: {  	_ =	shalt  }
0x4a: {  	_ =	shalt  }
0x4b: {  	_ =	shalt  }
0x4c: {  	_ =	shalt  }
0x4d: {  	_ =	shalt  }
0x4e: {  	_ =	shalt  }
0x4f: {  	_ =	shalt  }
0x50: {  	_ =	shalt  }
0x51: {  	_ =	shalt  }
0x52: {  	_ =	shalt  }
0x53: {  	_ =	shalt  }
0x54: {  	_ =	shalt  }
0x55: {  	_ =	shalt  }
0x56: {  	_ =	shalt  }
0x57: {  	_ =	shalt  }
0x58: {  	_ =	shalt  }
0x59: {  	_ =	shalt  }
0x5a: {  	_ =	shalt  }
0x5b: {  	_ =	shalt  }
0x5c: {  	_ =	shalt  }
0x5d: {  	_ =	shalt  }
0x5e: {  	_ =	shalt  }
0x5f: {  	_ =	shalt  }
0x60: {  	_ =	shalt  }
0x61: {  	_ =	shalt  }
0x62: {  	_ =	shalt  }
0x63: {  	_ =	shalt  }
0x64: {  	_ =	shalt  }
0x65: {  	_ =	shalt  }
0x66: {  	_ =	shalt  }
0x67: {  	_ =	shalt  }
0x68: {  	_ =	shalt  }
0x69: {  	_ =	shalt  }
0x6a: {  	_ =	shalt  }
0x6b: {  	_ =	shalt  }
0x6c: {  	_ =	shalt  }
0x6d: {  	_ =	shalt  }
0x6e: {  	_ =	shalt  }
0x6f: {  	_ =	shalt  }
0x70: {  	_ =	shalt  }
0x71: {  	_ =	shalt  }
0x72: {  	_ =	shalt  }
0x73: {  	_ =	shalt  }
0x74: {  	_ =	shalt  }
0x75: {  	_ =	shalt  }
0x76: {  	_ =	shalt  }
0x77: {  	_ =	shalt  }
0x78: {  	_ =	shalt  }
0x79: {  	_ =	shalt  }
0x7a: {  	_ =	shalt  }
0x7b: {  	_ =	shalt  }
0x7c: {  	_ =	shalt  }
0x7d: {  	_ =	shalt  }
0x7e: {  	_ =	shalt  }
0x7f: {  	_ =	shalt  }
0x80: {  	_ =	shalt  }
0x81: {  	_ =	shalt  }
0x82: {  	_ =	shalt  }
0x83: {  	_ =	shalt  }
0x84: {  	_ =	shalt  }
0x85: {  	_ =	shalt  }
0x86: {  	_ =	shalt  }
0x87: {  	_ =	shalt  }
.Lfunc_end0:
.L_simem_size_0:
called_computation_lowered:
.L_overlay_start_0:
0x88: {  	s2 =	sld [smem:$0x3FD9]  }
0x89: {  	s3 =	sld [smem:$0x3FFE];
	_ =	sdelay $0x1  }
0x8a: {  	s1 =	srdreg.scid  }
0x8b: {  	s0 =	sand.u32 $0x1, s1  }
0x8c: {  	s16 =	sshll.u32 s0, $0xA;
	s2 =	sadd.s32 s3, s2  }
0x8d: {  	s2 =	sadd.s32 s2, s16  }
0x8e: {  	[smem:$0x3FB7] =	sst s2  }
0x8f: {  	_ = 	snop  }
0x90: {  	s2 =	sld [smem:$0x3FD0];
	(tm) =	ssettm $0x1  }
0x91: {  	s17 =	sld [smem:$0x3FFB];
	_ =	sdelay $0x3  }
0x92: {  	_ =	strace s17  }
0x93: {  	s3 =	sld [smem:$0x3FFC];
	_ =	sdelay $0x3  }
0x94: {  	_ =	strace s3  }
0x95: {  	s3 =	sld [smem:$0x3FFD];
	_ =	sdelay $0x3  }
0x96: {  	_ =	strace s3  }
0x97: {  	_ =	strace $0x8FFFFFFF  }
0x98: {  	s18 =	sld [smem:$0x3FDB];
	_ =	sdelay $0x1  }
0x99: {  	s4 =	simm.s32 $_scs_section_size  }
0x9a: {  	s5 =	simm.s32 $_size__tile_overlayer_lowered;
	s6 =	simm.s32 $_tile_overlayer_lowered  }
0x9b: {  	s21 =	simm.s32 $0x1BFF;
	s20 =	sshll.u32 s6, $0x1;
	s3 =	sadd.s32 s4, s18  }
0x9c: {  	s7 =	simm.s32 $0x0;
	s19 =	sshll.u32 s5, $0x1;
	s5 =	sadd.s32 s20, s3  }
0x9d: {  	[timem:s7], [sflag:s21] =	dma.local [hbm:s5], s19  }
0x9e: {  	_ =	swait.ge [sflag:s21], s19  }
0x9f: {  	s4 =	ssub.s32 $0x0, s19;
	[sflag:s21] =	ssyncset.done $0x0  }
0xa0: {  	[sflag:s21] =	ssyncadd.s32 s4;
	_ =	sdelay $0x1  }
0xa1: {  	s22 =	simm.s32 $0x1B8B  }
0xa2: {  	_ =	swait.ge [sflag:s22], $0x1  }
0xa3: {  	[sflag:s22] =	ssyncset.done $0x0  }
0xa4: {  	s23 =	sld [smem:$0x3FFE];
	[sflag:s22] =	ssyncadd.s32 $0xFFFFFFFF  }
0xa5: {  	s25 =	simm.s32 $0x1B8E;
	s24 =	sld [smem:$0x0]  }
0xa6: {  	s26 =	simm.s32 $execute0_lowered;
	[smem:$0x3FD2] =	sst s25  }
0xa7: {  	s6 =	sshll.u32 s26, $0x1;
	_ =	strace $0x80000049;
	[dreg:$0x1] =	wrdreg $0xFFFFFFFF  }
0xa8: {  	s28 =	simm.s32 $_size_execute0_lowered;
	s3 =	sadd.s32 s3, s6;
	[dreg:$0x0] =	wrdreg $0x0  }
0xa9: {  	s6 =	sshll.u32 s28, $0x1;
	[dreg:$0x2] =	wrdreg s3  }
0xaa: {  	[dreg:$0x3] =	wrdreg s6  }
0xab: {  	[dreg:$0x4] =	wrdreg $0xC0  }
0xac: {  	_ =	task [dreg:s7], $0x5FFFF  }
0xad: {  	[dreg:$0x1] =	wrdreg $0xFFFFFFFF  }
0xae: {  	[dreg:$0x0] =	wrdreg $0x60  }
0xaf: {  	[dreg:$0x2] =	wrdreg s23  }
0xb0: {  	[dreg:$0x3] =	wrdreg s2  }
0xb1: {  	[dreg:$0x4] =	wrdreg s1  }
0xb2: {  	[dreg:$0x5] =	wrdreg s24  }
0xb3: {  	[dreg:$0x6] =	wrdreg $0x9  }
0xb4: {  	_ =	task.clear_ibuf [dreg:s7], $0x7FFFF;
	_ =	strace $0x90000049  }
0xb5: {  	s29 =	simm.s32 $0x9;
	_ =	strace $0x8000004B  }
0xb6: {  	_ =	swait.ge [sflag:s29], $0x1  }
0xb7: {  	[sflag:s29] =	ssyncadd.s32 $0xFFFFFFFF  }
0xb8: {  	_ =	strace $0x9000004B  }
0xb9: {  	_ =	sfence  }
0xba: {  	s30 =	sld [smem:$0x0];
	_ =	sdelay $0x2  }
0xbb: {  	s31 =	sshll.u32 s1, $0xD;
	s1 =	sshrl.u32 s1, $0x2  }
0xbc: {  	s3 =	sand.u32 $0x4000, s31;
	s1 =	sadd.s32 s1, s30  }
0xbd: {  	s0 =	sor.u32 s3, s0;
	s1 =	sshll.u32 s1, $0x11  }
0xbe: {  	s0 =	sor.u32 s1, s0  }
0xbf: {  	s0 =	sadd.s32 $0x8F2B, s0  }
0xc0: {  	[sflag:s0] =	ssyncadd.remote.s32 $0x1  }
0xc1: {  	_ =	sfence.sel $0xFFFF  }
0xc2: {  	[dreg:$0x0] =	wrdreg $0xFFFFFFFF;
	(pc) =	sbr.abs _section_cstart, $3  }
0xc3: {  	[dreg:$0x1] =	wrdreg $0xFFFFFFFF  }
0xc4: {  	_ =	task.clear_ibuf [dreg:s7], $0x2FFFF;
	_ =	strace $0x9FFFFFFF  }
0xc5: {  	(tm) =	ssettm $0x7FFFFFFF  }
tec
execute0_lowered:
.L_overlay_start_1:
0x0: {  	(tag) =	ssettag $0x1  }
0x1: {  	s2 =	rddreg [dreg:$0x0]  }
0x2: {  	s0 =	rddreg [dreg:$0x1]  }
0x3: {  	s4 =	rddreg [dreg:$0x2];
	_ =	strace $0x8000004A;
	s1 =	simm.s32 $0x1  }
0x4: {  	s3 =	simm.s32 $0x88;
	v0 =	vimm.s32 $0x0;
	[sflag:s1] =	ssyncpa.u1 $0x0  }
0x5: {  	[tilespmem:s3+$0x30] =	vst v0  }
0x6: {  	s1 =	sadd.s32 $0x65400, s2;
	s6 =	sadd.s32 $0x128A00, s2;
	[tilespmem:s3+$0x20] =	vst v0  }
0x7: {  	s2 =	sadd.s32 $0x34400, s2;
	s7 =	sand.u32 $0x1, s4;
	s4 =	simm.s32 $0x40;
	[tilespmem:s3+$0x10] =	vst v0  }
.LBB2_1:
0x8: {  	s4 =	sadd.s32 $0x40, s4  }
0x9: {  	[tilespmem:s3+$0x0] =	vst v0;
	s3 =	sadd.s32 $0x40, s3;
	p0 =	slt.u32 s4, $0x5040  }
.Ltmp0:
0xa: {  	(pc) =	sbr.rel @p0 .LBB2_1-.Ltmp0, $4  }
0xb: {  	_ = 	snop  }
0xc: {  	[tilespmem:s3+$0x30] =	vst v0  }
0xd: {  	[tilespmem:s3+$0x20] =	vst v0  }
0xe: {  	[tilespmem:s3+$0x10] =	vst v0  }
0xf: {  	s8 =	stileid.u32  }
0x10: {  	s4 =	smul.u32 $0x4E, s8  }
0x11: {  	s5 =	smin.u32 s8, $0x2  }
0x12: {  	s4 =	sadd.s32 s5, s4  }
0x13: {  	p0 =	slt.u32 s8, $0x2;
	s12 =	smul.u32 $0x140, s4;
	s4 =	simm.s32 $0x62C0  }
0x14: {  	s4 =	simm.s32 @!p0 $0x6180  }
0x15: {  	s25 =	simm.s32 $0x2;
	s4 =	sadd.s32 s4, s12  }
0x16: {  	s28 =	simm.s32 $0x9;
	s9 =	simm.s32 $0xA;
	s14 =	smin.u32 s4, $0x61A80  }
0x17: {  	s30 =	simm.s32 $0xB;
	[dreg:$0x5] =	wrdreg s7;
	s4 =	ssub.s32 s14, s12  }
0x18: {  	s31 =	smul.u32 $0xC350, s7;
	s13 =	simm.s32 $0x1;
	p0 =	sgt.s32 s4, $0x0  }
0x19: {  	s19 =	simm.s32 $0x0;
	s20 =	simm.s32 $0xA808;
	s4 =	simm.s32 @!p0 $0x0  }
0x1a: {  	s21 =	simm.s32 $0xFFFFFFFF;
	p1 =	por $0x0, $0x0;
	s26 =	smulhi.u32 $0x66666667, s4  }
0x1b: {  	[tilespmem:s3+$0x0] =	vst v0;
	s23 =	simm.s32 $0x0;
	[sflag:s25] =	ssyncpa.u1 $0x0;
	s18 =	sshll.u32 s8, $0x7  }
0x1c: {  	s0 =	sadd.s32 s31, s0;
	[dreg:$0xb] =	wrdreg s18;
	s3 =	sshrl.u32 s26, $0x7  }
0x1d: {  	v0 =	vimm.s32 $0xFFFFFFFF;
	s17 =	sadd.s32 s31, s2;
	[dreg:$0xa] =	wrdreg s0;
	s29 =	smul.u32 $0x140, s3  }
0x1e: {  	s25 =	simm.s32 $0x0;
	[tilespmem:$0xA108] =	vst v0;
	[sflag:s28] =	ssyncpa.u1 $0x0;
	[dreg:$0x9] =	wrdreg s17  }
.Ltmp1:
0x1f: {  	p0 =	sne.s32 s4, s29;
	s4 =	simm.s32 $0x1;
	(pc) =	sbr.rel .LBB2_3-.Ltmp1, $4  }
0x20: {  	[sflag:s9] =	ssyncpa.u1 $0x0;
	[dreg:$0x6] =	wrdreg s12;
	s4 =	simm.s32 @!p0 $0x0  }
0x21: {  	[sflag:s30] =	ssyncpa.u1 $0x0;
	[dreg:$0x7] =	wrdreg s14;
	s15 =	sadd.s32 s4, s3  }
0x22: {  	s24 =	smov.u32 s12;
	s22 =	sadd.s32 $0x1, s15;
	[dreg:$0x8] =	wrdreg s15  }
0x23: {  	v0 =	vlaneseq.u32;
	s26 =	simm.s32 $0x0;
	p0 =	por $0x1, $0x1;
	[dreg:$0xc] =	wrdreg s22  }
.LBB2_22:
0x24: {  	s0 =	sshrl.u32 s3, $0x2  }
.LBB2_24:
0x25: {  	s3 =	simm.s32 $0xC  }
0x26: {  	_ =	swait.ge [sflag:s3], s0  }
0x27: {  	s31 =	ssub.s32 $0x0, s0;
	v1 =	vmov s4;
	vm0 =	veq.s32 v0, $0x0;
	[sflag:s3] =	ssyncset.done $0x0  }
0x28: {  	vm15 =	veq.s32 v0, $0x2;
	v1 =	vsel vm0, s2, v1;
	[sflag:s3] =	ssyncadd.s32 s31  }
0x29: {  	v1 =	vsel vm15, s26, v1;
	[sflag:s3] =	ssyncpa.u1 $0x1  }
0x2a: {  	[tilespmem:$0xA108] =	vst v1  }
.LBB2_25:
0x2b: {  	s0 =	sadd.s32 $0x140, s24  }
0x2c: {  	s2 =	smov.u32 s12;
	p2 =	slt.s32 s0, s14  }
0x2d: {  	s2 =	smov.u32 @p2 s0;
	p2 =	sne.s32 s25, s22  }
.Ltmp2:
0x2e: {  	_ = 	snop;
	(pc) =	sbr.rel @!p2 .LBB2_26-.Ltmp2, $4  }
0x2f: {  	_ = 	snop  }
0x30: {  	s26 =	smov.u32 s23;
	s31 =	sadd.s32 $0x1, s25;
	p0 =	por !p0, !p0  }
0x31: {  	s23 =	smov.u32 s24;
	s20 =	sadd.s32 $0x140, s20;
	s21 =	sadd.s32 $0x1, s21  }
0x32: {  	p1 =	por !p1, !p1;
	s25 =	smov.u32 s31;
	s24 =	smov.u32 s2  }
.LBB2_3:
0x33: {  	p2 =	sge.u32 s25, s15  }
0x34: {  	s0 =	smulhi.u32 @!p2 $0xAAAAAAAB, s25  }
0x35: {  	s2 =	smov.u32 s24;
	p3 =	sgt.s32 @!p2 s24, $0x61940  }
0x36: {  	s3 =	sshra.s32 @!p2 s24, $0x1F;
	p3 =	por !p3, p2;
	s0 =	sshrl.u32 @!p2 s0, $0x1  }
0x37: {  	s3 =	sand.u32 @!p2 s3, s24;
	s2 =	simm.s32 @p3 $0x61940;
	s0 =	smul.u32 @!p2 $0x3, s0  }
0x38: {  	s2 =	ssub.s32 @!p2 s2, s3  }
0x39: {  	s2 =	sadd.s32 @!p2 $0xFFF9E6C0, s2;
	s0 =	ssub.s32 @!p2 s25, s0  }
0x3a: {  	s3 =	sshll.u32 @!p2 s2, $0x2;
	p3 =	sgt.s32 @!p2 s2, $0x13F;
	s0 =	smul.u32 @!p2 $0x500, s0  }
0x3b: {  	s4 =	sand.u32 @!p2 $0x7, s24;
	s2 =	ssub.s32 @!p2 $0x500, s3;
	p3 =	por !p3, p2  }
0x3c: {  	s3 =	sshrl.u32 @!p2 s24, $0x3;
	s2 =	sshrl.u32 @!p2 s2, $0x2;
	s0 =	sshrl.u32 @!p2 s0, $0x2  }
0x3d: {  	s3 =	sadd.s32 @!p2 s3, s17;
	s2 =	simm.s32 @!p3 $0x0;
	s0 =	sadd.s32 @!p2 $0xA948, s0  }
0x3e: {  	[tilespmem:s0], [sflag:$0xA] =	stream.linear.gather @!p2 [hbm4b:s3+s4], s2, $0x38;
	[tilespmem:$0x1EF88] =	vst v63  }
0x3f: {  	s0 =	sadd.s32 $0xFFFFFFFF, s25  }
0x40: {  	p2 =	sge.u32 s0, s15  }
.Ltmp3:
0x41: {  	_ = 	snop;
	(pc) =	sbr.rel @p2 .LBB2_7-.Ltmp3, $1  }
0x42: {  	_ =	sdelay $0x3  }
0x43: {  	p2 =	sgt.s32 s23, $0x61940;
	s2 =	smov.u32 s23;
	s3 =	sshra.s32 s23, $0x1F  }
0x44: {  	s2 =	simm.s32 @!p2 $0x61940;
	s3 =	sand.u32 s3, s23  }
0x45: {  	s17 =	smulhi.u32 $0xAAAAAAAB, s21;
	s2 =	ssub.s32 s2, s3  }
0x46: {  	s0 =	sand.u32 $0x1, s0;
	s2 =	sadd.s32 $0xFFF9E6C0, s2  }
0x47: {  	s5 =	simm.s32 $0xA;
	s3 =	sshrl.u32 s17, $0x1;
	s4 =	sshll.u32 s2, $0x2  }
0x48: {  	s7 =	sshrl.u32 s23, $0x3;
	s3 =	smul.u32 $0xFFFFF100, s3;
	s4 =	ssub.s32 $0x500, s4  }
0x49: {  	s18 =	smul.u32 $0x500, s0;
	p2 =	sgt.s32 s2, $0x13F;
	s2 =	sshrl.u32 s4, $0x2  }
0x4a: {  	s9 =	sand.u32 $0x7, s23;
	s3 =	sshra.s32 s3, $0x2;
	s2 =	simm.s32 @p2 $0x0  }
0x4b: {  	s0 =	sadd.s32 s3, s20;
	s4 =	sshrl.u32 s18, $0x2;
	_ =	swait.ge [sflag:s5], s2  }
0x4c: {  	s22 =	ssub.s32 $0x0, s2;
	[sflag:s5] =	ssyncset.done $0x0;
	s8 =	rddreg [dreg:$0xa]  }
0x4d: {  	s4 =	sadd.s32 $0xAD08, s4;
	[sflag:s5] =	ssyncadd.s32 s22;
	s3 =	sadd.s32 s7, s8  }
0x4e: {  	[tilespmem:s4], [sflag:$0xB] =	stream.linear.gather [hbm4b:s3+s9], s2, $0x38;
	[tilespmem:$0x1EF88] =	vst v63  }
0x4f: {  	v1 =	vld.msk [tilespmem:s0+$0x0], $0xffff;
	_ =	sdelay $0x4  }
0x50: {  	v1 =	vshll.u32 v1, $0x4  }
0x51: {  	(v2sf) =	vpush v1, $0x0  }
0x52: {  	(v2sf) =	vpush v1, $0x1  }
0x53: {  	(v2sf) =	vpush v1, $0x2;
	_ =	sdelay $0x3  }
0x54: {  	(v2sf) =	vpush v1, $0x3;
	_ =	sdelay $0x1  }
0x55: {  	(v2sf) =	vpush v1, $0x4  }
0x56: {  	s2 =	simm.s32 $0x1;
	(v2sf) =	vpush v1, $0x5  }
0x57: {  	s2 =	simm.s32 @!p0 $0x0  }
0x58: {  	s2 =	smul.u32 $0x28000, s2;
	(v2sf) =	vpush v1, $0x6;
	_ =	sdelay $0x1  }
0x59: {  	s2 =	sshrl.u32 s2, $0x2  }
0x5a: {  	s28 =	sadd.s32 $0xB708, s2  }
0x5b: {  	s12 =	sadd.s32 $0xFFFFF880, s28;
	s17 =	sadd.s32 $0xFFFFF900, s28;
	s10 =	spop (v2sf);
	(v2sf) =	vpush v1, $0x7  }
0x5c: {  	s18 =	sadd.s32 $0xFFFFF980, s28;
	s11 =	sand.u32 $0x1FFFFFF0, s10;
	s14 =	spop (v2sf)  }
0x5d: {  	(v2sf) =	vpush v1, $0x8;
	s2 =	sadd.s32 s6, s11;
	s15 =	sand.u32 $0x1FFFFFF0, s14;
	s16 =	spop (v2sf)  }
0x5e: {  	[tilespmem:s12], [sflag:$0x9] =	stream.linear.gather [hbm4b:s2+s19], $0x40, $0x38;
	[tilespmem:$0x1EF88] =	vst v63  }
0x5f: {  	s5 =	sadd.s32 $0xFFFFFA00, s28;
	s2 =	sadd.s32 s6, s15;
	s3 =	sand.u32 $0x1FFFFFF0, s16  }
0x60: {  	(v2sf) =	vpush v1, $0x9;
	[tilespmem:s17], [sflag:$0x9] =	stream.linear.gather [hbm4b:s2+s19], $0x40, $0x38;
	[tilespmem:$0x1EF88] =	vst v63  }
0x61: {  	s7 =	sadd.s32 $0xFFFFFA80, s28;
	s22 =	spop (v2sf);
	s3 =	sadd.s32 s6, s3  }
0x62: {  	(v2sf) =	vpush v1, $0xA;
	[tilespmem:s18], [sflag:$0x9] =	stream.linear.gather [hbm4b:s3+s19], $0x40, $0x38;
	[tilespmem:$0x1EF88] =	vst v63  }
0x63: {  	s11 =	sadd.s32 $0xFFFFFB00, s28;
	s4 =	spop (v2sf);
	(v2sf) =	vpush v1, $0xB;
	s3 =	sand.u32 $0x1FFFFFF0, s22  }
0x64: {  	s8 =	spop (v2sf);
	s2 =	sadd.s32 s6, s3;
	s3 =	sand.u32 $0x1FFFFFF0, s4  }
0x65: {  	(v2sf) =	vpush v1, $0xC;
	[tilespmem:s5], [sflag:$0x9] =	stream.linear.gather [hbm4b:s2+s19], $0x40, $0x38;
	[tilespmem:$0x1EF88] =	vst v63  }
0x66: {  	s9 =	sand.u32 $0x1FFFFFF0, s8;
	s10 =	spop (v2sf);
	s3 =	sadd.s32 s6, s3  }
0x67: {  	(v2sf) =	vpush v1, $0xD;
	[tilespmem:s7], [sflag:$0x9] =	stream.linear.gather [hbm4b:s3+s19], $0x40, $0x38;
	[tilespmem:$0x1EF88] =	vst v63  }
0x68: {  	s12 =	sadd.s32 $0xFFFFFB80, s28;
	s2 =	sadd.s32 s6, s9;
	s3 =	sand.u32 $0x1FFFFFF0, s10  }
0x69: {  	[tilespmem:s11], [sflag:$0x9] =	stream.linear.gather [hbm4b:s2+s19], $0x40, $0x38;
	[tilespmem:$0x1EF88] =	vst v63  }
0x6a: {  	s17 =	sadd.s32 $0xFFFFFC00, s28;
	s3 =	sadd.s32 s6, s3;
	s14 =	spop (v2sf)  }
0x6b: {  	[tilespmem:s12], [sflag:$0x9] =	stream.linear.gather [hbm4b:s3+s19], $0x40, $0x38;
	(v2sf) =	vpush v1, $0xE;
	[tilespmem:$0x1EF88] =	vst v63  }
0x6c: {  	s18 =	sadd.s32 $0xFFFFFC80, s28;
	s15 =	sand.u32 $0x1FFFFFF0, s14;
	s16 =	spop (v2sf)  }
0x6d: {  	s5 =	sadd.s32 $0xFFFFFD00, s28;
	(v2sf) =	vpush v1, $0xF;
	s2 =	sadd.s32 s6, s15;
	s3 =	sand.u32 $0x1FFFFFF0, s16  }
0x6e: {  	[tilespmem:s17], [sflag:$0x9] =	stream.linear.gather [hbm4b:s2+s19], $0x40, $0x38;
	[tilespmem:$0x1EF88] =	vst v63  }
0x6f: {  	s7 =	sadd.s32 $0xFFFFFD80, s28;
	s22 =	spop (v2sf);
	s3 =	sadd.s32 s6, s3  }
0x70: {  	[tilespmem:s18], [sflag:$0x9] =	stream.linear.gather [hbm4b:s3+s19], $0x40, $0x38;
	[tilespmem:$0x1EF88] =	vst v63  }
0x71: {  	s11 =	sadd.s32 $0xFFFFFE00, s28;
	s4 =	spop (v2sf);
	s3 =	sand.u32 $0x1FFFFFF0, s22  }
0x72: {  	s8 =	spop (v2sf);
	s2 =	sadd.s32 s6, s3;
	s3 =	sand.u32 $0x1FFFFFF0, s4  }
0x73: {  	[tilespmem:s5], [sflag:$0x9] =	stream.linear.gather [hbm4b:s2+s19], $0x40, $0x38;
	[tilespmem:$0x1EF88] =	vst v63  }
0x74: {  	s9 =	sand.u32 $0x1FFFFFF0, s8;
	s10 =	spop (v2sf);
	s3 =	sadd.s32 s6, s3  }
0x75: {  	[tilespmem:s7], [sflag:$0x9] =	stream.linear.gather [hbm4b:s3+s19], $0x40, $0x38;
	[tilespmem:$0x1EF88] =	vst v63  }
0x76: {  	s14 =	spop (v2sf);
	s2 =	sadd.s32 s6, s9;
	s3 =	sand.u32 $0x1FFFFFF0, s10  }
0x77: {  	[tilespmem:s11], [sflag:$0x9] =	stream.linear.gather [hbm4b:s2+s19], $0x40, $0x38;
	[tilespmem:$0x1EF88] =	vst v63  }
0x78: {  	s12 =	sadd.s32 $0xFFFFFE80, s28;
	s15 =	sand.u32 $0x1FFFFFF0, s14;
	s3 =	sadd.s32 s6, s3  }
0x79: {  	[tilespmem:s12], [sflag:$0x9] =	stream.linear.gather [hbm4b:s3+s19], $0x40, $0x38;
	[tilespmem:$0x1EF88] =	vst v63  }
0x7a: {  	s17 =	sadd.s32 $0xFFFFFF00, s28;
	s2 =	sadd.s32 s6, s15;
	s16 =	spop (v2sf)  }
0x7b: {  	[tilespmem:s17], [sflag:$0x9] =	stream.linear.gather [hbm4b:s2+s19], $0x40, $0x38;
	[tilespmem:$0x1EF88] =	vst v63  }
0x7c: {  	s29 =	simm.s32 $0x0;
	s3 =	sand.u32 $0x1FFFFFF0, s16;
	s18 =	spop (v2sf)  }
0x7d: {  	s22 =	sadd.s32 $0xFFFFFF80, s28;
	s3 =	sadd.s32 s6, s3;
	s2 =	sand.u32 $0x1FFFFFF0, s18  }
0x7e: {  	[tilespmem:s22], [sflag:$0x9] =	stream.linear.gather [hbm4b:s3+s19], $0x40, $0x38;
	[tilespmem:$0x1EF88] =	vst v63  }
0x7f: {  	s31 =	sadd.s32 $0x10, s0;
	s30 =	sadd.s32 $0x800, s28;
	s2 =	sadd.s32 s6, s2  }
.LBB2_5:
0x80: {  	[tilespmem:s28], [sflag:$0x9] =	stream.linear.gather [hbm4b:s2+s19], $0x40, $0x38;
	[tilespmem:$0x1EF88] =	vst v63  }
0x81: {  	s29 =	sadd.s32 $0x10, s29;
	s28 =	smov.u32 s30  }
0x82: {  	p2 =	slt.u32 s29, $0x130;
	v1 =	vld.msk [tilespmem:s31+$0x0], $0xffff;
	_ =	sdelay $0x4  }
0x83: {  	v1 =	vshll.u32 v1, $0x4  }
0x84: {  	(v2sf) =	vpush v1, $0x0  }
0x85: {  	(v2sf) =	vpush v1, $0x1  }
0x86: {  	(v2sf) =	vpush v1, $0x2;
	_ =	sdelay $0x1  }
0x87: {  	(v2sf) =	vpush v1, $0x3;
	_ =	sdelay $0x1  }
0x88: {  	(v2sf) =	vpush v1, $0x4;
	_ =	sdelay $0x1  }
0x89: {  	(v2sf) =	vpush v1, $0x5;
	_ =	sdelay $0x1  }
0x8a: {  	(v2sf) =	vpush v1, $0x6  }
0x8b: {  	s4 =	sadd.s32 $0xFFFFFE80, s30;
	s0 =	sadd.s32 $0xFFFFFF00, s30  }
0x8c: {  	s3 =	sadd.s32 $0xFFFFFD00, s30;
	s2 =	sadd.s32 $0xFFFFFD80, s30;
	s5 =	sadd.s32 $0xFFFFFE00, s30;
	(v2sf) =	vpush v1, $0x7  }
0x8d: {  	s10 =	sadd.s32 $0xFFFFFB80, s30;
	s9 =	sadd.s32 $0xFFFFFC00, s30;
	s16 =	sadd.s32 $0xFFFFFC80, s30  }
0x8e: {  	s11 =	sadd.s32 $0xFFFFFA00, s30;
	s12 =	sadd.s32 $0xFFFFFA80, s30;
	s15 =	sadd.s32 $0xFFFFFB00, s30;
	(v2sf) =	vpush v1, $0x8  }
0x8f: {  	s18 =	sadd.s32 $0xFFFFF900, s30;
	s7 =	sadd.s32 $0xFFFFF980, s30;
	s22 =	spop (v2sf)  }
0x90: {  	s8 =	sadd.s32 $0xFFFFF880, s30;
	s22 =	sand.u32 $0x1FFFFFF0, s22;
	s14 =	spop (v2sf);
	(v2sf) =	vpush v1, $0x9  }
0x91: {  	s22 =	sadd.s32 s6, s22;
	s14 =	sand.u32 $0x1FFFFFF0, s14;
	s17 =	spop (v2sf)  }
0x92: {  	[tilespmem:s8], [sflag:$0x9] =	stream.linear.gather [hbm4b:s22+s19], $0x40, $0x38;
	(v2sf) =	vpush v1, $0xA;
	[tilespmem:$0x1EF88] =	vst v63  }
0x93: {  	s8 =	sadd.s32 s6, s14;
	s14 =	sand.u32 $0x1FFFFFF0, s17;
	s17 =	spop (v2sf)  }
0x94: {  	[tilespmem:s18], [sflag:$0x9] =	stream.linear.gather [hbm4b:s8+s19], $0x40, $0x38;
	(v2sf) =	vpush v1, $0xB;
	[tilespmem:$0x1EF88] =	vst v63  }
0x95: {  	s8 =	sadd.s32 s6, s14;
	s14 =	sand.u32 $0x1FFFFFF0, s17;
	s17 =	spop (v2sf)  }
0x96: {  	[tilespmem:s7], [sflag:$0x9] =	stream.linear.gather [hbm4b:s8+s19], $0x40, $0x38;
	(v2sf) =	vpush v1, $0xC;
	[tilespmem:$0x1EF88] =	vst v63  }
0x97: {  	s7 =	sadd.s32 s6, s14;
	s8 =	sand.u32 $0x1FFFFFF0, s17;
	s14 =	spop (v2sf)  }
0x98: {  	[tilespmem:s11], [sflag:$0x9] =	stream.linear.gather [hbm4b:s7+s19], $0x40, $0x38;
	(v2sf) =	vpush v1, $0xD;
	[tilespmem:$0x1EF88] =	vst v63  }
0x99: {  	s7 =	sadd.s32 s6, s8;
	s8 =	sand.u32 $0x1FFFFFF0, s14;
	s11 =	spop (v2sf)  }
0x9a: {  	[tilespmem:s12], [sflag:$0x9] =	stream.linear.gather [hbm4b:s7+s19], $0x40, $0x38;
	(v2sf) =	vpush v1, $0xE;
	[tilespmem:$0x1EF88] =	vst v63  }
0x9b: {  	s7 =	sadd.s32 s6, s8;
	s8 =	sand.u32 $0x1FFFFFF0, s11;
	s11 =	spop (v2sf)  }
0x9c: {  	[tilespmem:s15], [sflag:$0x9] =	stream.linear.gather [hbm4b:s7+s19], $0x40, $0x38;
	(v2sf) =	vpush v1, $0xF;
	[tilespmem:$0x1EF88] =	vst v63  }
0x9d: {  	s7 =	sadd.s32 s6, s8;
	s8 =	sand.u32 $0x1FFFFFF0, s11;
	s11 =	spop (v2sf)  }
0x9e: {  	[tilespmem:s10], [sflag:$0x9] =	stream.linear.gather [hbm4b:s7+s19], $0x40, $0x38;
	[tilespmem:$0x1EF88] =	vst v63  }
0x9f: {  	s7 =	sadd.s32 s6, s8;
	s8 =	sand.u32 $0x1FFFFFF0, s11;
	s10 =	spop (v2sf)  }
0xa0: {  	[tilespmem:s9], [sflag:$0x9] =	stream.linear.gather [hbm4b:s7+s19], $0x40, $0x38;
	[tilespmem:$0x1EF88] =	vst v63  }
0xa1: {  	s7 =	sadd.s32 s6, s8;
	s8 =	sand.u32 $0x1FFFFFF0, s10;
	s9 =	spop (v2sf)  }
0xa2: {  	[tilespmem:s16], [sflag:$0x9] =	stream.linear.gather [hbm4b:s7+s19], $0x40, $0x38;
	[tilespmem:$0x1EF88] =	vst v63  }
0xa3: {  	s7 =	sadd.s32 s6, s8;
	s8 =	sand.u32 $0x1FFFFFF0, s9;
	s9 =	spop (v2sf)  }
0xa4: {  	[tilespmem:s3], [sflag:$0x9] =	stream.linear.gather [hbm4b:s7+s19], $0x40, $0x38;
	[tilespmem:$0x1EF88] =	vst v63  }
0xa5: {  	s3 =	sadd.s32 s6, s8;
	s7 =	sand.u32 $0x1FFFFFF0, s9;
	s8 =	spop (v2sf)  }
0xa6: {  	[tilespmem:s2], [sflag:$0x9] =	stream.linear.gather [hbm4b:s3+s19], $0x40, $0x38;
	[tilespmem:$0x1EF88] =	vst v63  }
0xa7: {  	s2 =	sadd.s32 s6, s7;
	s3 =	sand.u32 $0x1FFFFFF0, s8;
	s7 =	spop (v2sf)  }
0xa8: {  	[tilespmem:s5], [sflag:$0x9] =	stream.linear.gather [hbm4b:s2+s19], $0x40, $0x38;
	[tilespmem:$0x1EF88] =	vst v63  }
0xa9: {  	s2 =	sadd.s32 s6, s3;
	s3 =	sand.u32 $0x1FFFFFF0, s7;
	s5 =	spop (v2sf)  }
0xaa: {  	[tilespmem:s4], [sflag:$0x9] =	stream.linear.gather [hbm4b:s2+s19], $0x40, $0x38;
	[tilespmem:$0x1EF88] =	vst v63  }
0xab: {  	s2 =	sadd.s32 s6, s3  }
.Ltmp4:
0xac: {  	s3 =	sand.u32 $0x1FFFFFF0, s5;
	s4 =	spop (v2sf);
	(pc) =	sbr.rel @p2 .LBB2_5-.Ltmp4, $4  }
0xad: {  	[tilespmem:s0], [sflag:$0x9] =	stream.linear.gather [hbm4b:s2+s19], $0x40, $0x38;
	[tilespmem:$0x1EF88] =	vst v63  }
0xae: {  	s0 =	sadd.s32 s6, s3;
	s2 =	sadd.s32 $0xFFFFFF80, s30;
	s3 =	sand.u32 $0x1FFFFFF0, s4  }
0xaf: {  	[tilespmem:s2], [sflag:$0x9] =	stream.linear.gather [hbm4b:s0+s19], $0x40, $0x38;
	[tilespmem:$0x1EF88] =	vst v63  }
0xb0: {  	s31 =	sadd.s32 $0x10, s31;
	s30 =	sadd.s32 $0x800, s30;
	s2 =	sadd.s32 s6, s3  }
0xb1: {  	[tilespmem:s28], [sflag:$0x9] =	stream.linear.gather [hbm4b:s2+s19], $0x40, $0x38;
	[tilespmem:$0x1EF88] =	vst v63  }
0xb2: {  	s12 =	rddreg [dreg:$0x6]  }
0xb3: {  	s14 =	rddreg [dreg:$0x7]  }
0xb4: {  	s15 =	rddreg [dreg:$0x8]  }
0xb5: {  	s17 =	rddreg [dreg:$0x9]  }
0xb6: {  	s18 =	rddreg [dreg:$0xb]  }
0xb7: {  	s22 =	rddreg [dreg:$0xc]  }
.LBB2_7:
0xb8: {  	p2 =	slt.u32 s25, $0x2  }
.Ltmp5:
0xb9: {  	_ = 	snop;
	(pc) =	sbr.rel @p2 .LBB2_25-.Ltmp5, $1  }
0xba: {  	_ =	sdelay $0x3  }
0xbb: {  	p2 =	sgt.s32 s26, $0x61940;
	s0 =	smov.u32 s26;
	s2 =	sshra.s32 s26, $0x1F  }
0xbc: {  	s0 =	simm.s32 @!p2 $0x61940;
	s2 =	sand.u32 s2, s26  }
0xbd: {  	s0 =	ssub.s32 s0, s2  }
0xbe: {  	s0 =	sadd.s32 $0xFFF9E6C0, s0  }
0xbf: {  	s3 =	simm.s32 $0x9;
	s29 =	sshll.u32 s0, $0x2  }
0xc0: {  	_ =	swait.ge [sflag:s3], $0x5000;
	s2 =	ssub.s32 $0x500, s29  }
0xc1: {  	[sflag:s3] =	ssyncset.done $0x0;
	p2 =	sgt.s32 s0, $0x13F;
	s0 =	sshrl.u32 s2, $0x2  }
0xc2: {  	s30 =	simm.s32 $0xB;
	[sflag:s3] =	ssyncadd.s32 $0xFFFFB000;
	s0 =	simm.s32 @p2 $0x0  }
0xc3: {  	_ =	swait.ge [sflag:s30], s0  }
0xc4: {  	s0 =	ssub.s32 $0x0, s0;
	[sflag:s30] =	ssyncset.done $0x0  }
0xc5: {  	[sflag:s30] =	ssyncadd.s32 s0  }
0xc6: {  	v1 =	vld [tilespmem:$0xA108];
	_ =	sdelay $0x4  }
0xc7: {  	(v2sf) =	vpush v1, $0x0  }
0xc8: {  	(v2sf) =	vpush v1, $0x1  }
0xc9: {  	(v2sf) =	vpush v1, $0x2;
	_ =	sdelay $0x3  }
0xca: {  	s0 =	sadd.s32 $0x140, s26  }
0xcb: {  	s4 =	ssub.s32 $0xC3500, s26;
	p2 =	slt.s32 s14, s0  }
0xcc: {  	s0 =	smov.u32 @p2 s14;
	p2 =	sgt.s32 s4, $0x0  }
0xcd: {  	s0 =	ssub.s32 s0, s26;
	s4 =	simm.s32 @!p2 $0x0  }
0xce: {  	p2 =	slt.s32 s4, s0  }
0xcf: {  	s0 =	smov.u32 @p2 s4  }
0xd0: {  	s2 =	simm.s32 $0x1;
	p2 =	slt.s32 s0, $0x1  }
.Ltmp6:
0xd1: {  	s2 =	simm.s32 @!p1 $0x0;
	(pc) =	sbr.rel @p2 .LBB2_12-.Ltmp6, $4  }
0xd2: {  	s7 =	smul.u32 $0x500, s2  }
0xd3: {  	s3 =	spop (v2sf)  }
0xd4: {  	s31 =	sshrl.u32 s7, $0x2;
	s5 =	spop (v2sf)  }
0xd5: {  	s28 =	sadd.s32 $0xAD08, s31;
	s26 =	spop (v2sf)  }
0xd6: {  	s4 =	smin.u32 s0, $0x10  }
0xd7: {  	v1 =	vmov s4  }
0xd8: {  	p3 =	sgt.s32 s0, $0x10;
	vm1 =	vgt.u32 v1, v0  }
.Ltmp7:
0xd9: {  	_ = 	snop;
	(pc) =	sbr.rel @!p3 .LBB2_11-.Ltmp7, $2  }
0xda: {  	_ =	sdelay $0x2  }
0xdb: {  	s9 =	simm.s32 $0x10;
	s10 =	sadd.s32 $0xFFFFFFF0, s0;
	s4 =	smov.u32 s28;
	vm0 =	vmmov vm1  }
.LBB2_10:
0xdc: {  	s7 =	smin.u32 s10, $0x10;
	s9 =	sadd.s32 $0x10, s9;
	v1 =	vld.msk [tilespmem:s4+$0x0 ss:$0x1], vm1  }
0xdd: {  	v2 =	vmov s7;
	p3 =	slt.s32 s9, s0  }
0xde: {  	vm1 =	vgt.u32 v2, v0  }
.Ltmp8:
0xdf: {  	(pc) =	sbr.rel @p3 .LBB2_10-.Ltmp8, $3  }
0xe0: {  	_ =	sdelay $0x1  }
0xe1: {  	v1 =	vshll.u32 v1, $0x4  }
0xe2: {  	s10 =	sadd.s32 $0xFFFFFFF0, s10;
	[tilespmem:s4+$0x0] =	vst.msk vm0, v1;
	s4 =	sadd.s32 $0x10, s4;
	vm0 =	vmmov vm1  }
.LBB2_11:
0xe3: {  	_ =	sdelay $0x4  }
0xe4: {  	v1 =	vld.msk [tilespmem:s4+$0x0 ss:$0x1], vm1;
	_ =	sdelay $0x4  }
0xe5: {  	v1 =	vshll.u32 v1, $0x4  }
0xe6: {  	[tilespmem:s4+$0x0] =	vst.msk vm0, v1  }
.LBB2_12:
0xe7: {  	s4 =	sand.u32 $0x1, s25  }
0xe8: {  	s4 =	smul.u32 $0x140, s4  }
0xe9: {  	p3 =	sne.s32 s5, $0xFFFFFFFF  }
0xea: {  	v1 =	vld.msk @!p3 [tilespmem:s4+$0xAD08], $0x1;
	_ =	sdelay $0x4  }
0xeb: {  	(v2sf) =	vpush @!p3 v1, $0x0;
	_ =	sdelay $0xc  }
.Ltmp9:
0xec: {  	_ = 	snop;
	(pc) =	sbr.rel @p2 .LBB2_23-.Ltmp9, $4  }
0xed: {  	_ = 	snop  }
0xee: {  	s29 =	spop @!p3 (v2sf)  }
0xef: {  	s31 =	simm.s32 $0xC;
	s26 =	simm.s32 @!p3 $0x0;
	s4 =	smov.u32 s29  }
0xf0: {  	[sflag:s31] =	ssyncpa.u1 $0x0;
	s29 =	smov.u32 @p3 s3;
	s4 =	smov.u32 @p3 s5  }
0xf1: {  	v1 =	vld.msk [tilespmem:s28+$0x0], $0x1;
	_ =	sdelay $0x4  }
0xf2: {  	(v2sf) =	vpush v1, $0x0;
	_ =	sdelay $0xe  }
0xf3: {  	s2 =	smul.u32 $0x28000, s2;
	s5 =	spop (v2sf)  }
0xf4: {  	s31 =	ssub.s32 $0x0, s0;
	p2 =	seq.s32 s29, s5  }
0xf5: {  	s3 =	smov.u32 s29;
	s2 =	sshrl.u32 s2, $0x2;
	p3 =	sgt.s32 @!p2 s29, $0x0  }
0xf6: {  	s30 =	sadd.s32 $0xAFA8, s2;
	s2 =	sadd.s32 $0x1, s31;
	p3 =	por !p3, p2  }
0xf7: {  	s3 =	simm.s32 @p3 $0x0;
	p3 =	seq.s32 s2, $0x0  }
.Ltmp10:
0xf8: {  	_ = 	snop;
	(pc) =	sbr.rel @p3 .LBB2_15-.Ltmp10, $4  }
0xf9: {  	_ = 	snop  }
0xfa: {  	s0 =	simm.s32 $0x0;
	s9 =	simm.s32 @!p2 $0x1;
	s3 =	smin.u32 @!p2 s3, $0xC34F8  }
0xfb: {  	s10 =	simm.s32 @!p2 $0x50C8;
	s9 =	smov.u32 @p2 s0;
	s7 =	sand.u32 @!p2 $0xFFFF8, s3  }
0xfc: {  	s16 =	sand.u32 @!p2 $0x7, s3;
	s3 =	sadd.s32 $0x1, s28;
	s11 =	sadd.s32 @!p2 s1, s7  }
.LBB2_14:
0xfd: {  	s7 =	smov.u32 s9  }
0xfe: {  	[tilespmem:s10], [sflag:$0x2] =	stream.linear.gather @!p2 [hbm4b:s11+s16], $0x40, $0x38;
	[tilespmem:$0x1EF88] =	vst v63  }
0xff: {  	s2 =	sadd.s32 $0x1, s2;
	s8 =	smov.u32 s5;
	v1 =	vld.msk [tilespmem:s3+$0x0], $0x1  }
0x100: {  	p3 =	seq.s32 s2, $0x0;
	_ =	sdelay $0x3  }
0x101: {  	(v2sf) =	vpush v1, $0x0;
	_ =	sdelay $0xe  }
0x102: {  	s5 =	spop (v2sf)  }
0x103: {  	p2 =	seq.s32 s8, s5  }
0x104: {  	p4 =	sgt.s32 @!p2 s8, $0x0;
	s10 =	sshll.u32 @!p2 s9, $0x8;
	s9 =	sadd.s32 @!p2 $0x1, s9  }
.Ltmp11:
0x105: {  	p4 =	por !p4, p2;
	s10 =	sshra.s32 @!p2 s10, $0x2;
	(pc) =	sbr.rel @!p3 .LBB2_14-.Ltmp11, $4  }
0x106: {  	s9 =	smov.u32 @p2 s7;
	s8 =	simm.s32 @p4 $0x0;
	s10 =	sadd.s32 @!p2 $0x50C8, s10  }
0x107: {  	s7 =	smin.u32 @!p2 s8, $0xC34F8  }
0x108: {  	s8 =	sand.u32 @!p2 $0xFFFF8, s7;
	s16 =	sand.u32 @!p2 $0x7, s7  }
0x109: {  	s3 =	sadd.s32 $0x1, s3;
	s11 =	sadd.s32 @!p2 s1, s8  }
.LBB2_15:
0x10a: {  	[tilespmem:s10], [sflag:$0x2] =	stream.linear.gather @!p2 [hbm4b:s11+s16], $0x40, $0x38;
	[tilespmem:$0x1EF88] =	vst v63  }
.Ltmp12:
0x10b: {  	s2 =	sshll.u32 s9, $0x6;
	(pc) =	sbr.rel .LBB2_16-.Ltmp12, $4  }
0x10c: {  	s3 =	simm.s32 $0x2;
	s2 =	sand.u32 $0x3FFFFFC0, s2  }
0x10d: {  	_ =	swait.ge [sflag:s3], s2  }
0x10e: {  	s2 =	ssub.s32 $0x0, s2;
	[sflag:s3] =	ssyncset.done $0x0  }
0x10f: {  	[sflag:s3] =	ssyncadd.s32 s2;
	s3 =	simm.s32 $0x0  }
.LBB2_17:
0x110: {  	v1 =	vld [tilespmem:s30+$0xFFFFFFE0];
	_ =	sdelay $0x4  }
0x111: {  	[tilespmem:s5+$0x88] =	vst.add.f32.msk $0xffff, v1  }
0x112: {  	v1 =	vld [tilespmem:s30+$0xFFFFFFF0];
	_ =	sdelay $0x4  }
0x113: {  	[tilespmem:s5+$0x98] =	vst.add.f32.msk $0xffff, v1  }
0x114: {  	v1 =	vld [tilespmem:s30+$0x0];
	_ =	sdelay $0x4  }
0x115: {  	[tilespmem:s5+$0xA8] =	vst.add.f32.msk $0xffff, v1  }
0x116: {  	v1 =	vld [tilespmem:s30+$0x10];
	_ =	sdelay $0x4  }
0x117: {  	[tilespmem:s5+$0xB8] =	vst.add.f32.msk $0xffff, v1  }
.LBB2_21:
0x118: {  	s31 =	sadd.s32 $0x1, s31  }
0x119: {  	p2 =	seq.s32 s31, $0x0  }
.Ltmp13:
0x11a: {  	_ = 	snop;
	(pc) =	sbr.rel @p2 .LBB2_22-.Ltmp13, $2  }
0x11b: {  	_ =	sdelay $0x2  }
0x11c: {  	s30 =	sadd.s32 $0x80, s30;
	s28 =	sadd.s32 $0x1, s28;
	s29 =	smov.u32 s2  }
.LBB2_16:
0x11d: {  	v1 =	vld.msk [tilespmem:s28+$0x0], $0x1;
	_ =	sdelay $0x4  }
0x11e: {  	(v2sf) =	vpush v1, $0x0;
	_ =	sdelay $0xe  }
0x11f: {  	s2 =	spop (v2sf)  }
0x120: {  	p2 =	sne.s32 s29, s2  }
.Ltmp14:
0x121: {  	_ = 	snop;
	(pc) =	sbr.rel @!p2 .LBB2_17-.Ltmp14, $3  }
0x122: {  	_ =	sdelay $0x1  }
0x123: {  	s5 =	sshll.u32 s26, $0x8  }
0x124: {  	s5 =	sshra.s32 s5, $0x2  }
0x125: {  	p2 =	seq.s32 s29, s4  }
.Ltmp15:
0x126: {  	_ = 	snop;
	(pc) =	sbr.rel @!p2 .LBB2_19-.Ltmp15, $1  }
0x127: {  	_ =	sdelay $0x3  }
.Ltmp16:
0x128: {  	s5 =	sadd.s32 $0x88, s5;
	(pc) =	sbr.rel .LBB2_20-.Ltmp16, $4  }
0x129: {  	[spmem:s18] =	stream.linear.scatter [tilespmem:s5], [sflag:$0x1], $0x40, $0x38;
	[tilespmem:$0x1EF88] =	vst v63  }
0x12a: {  	_ =	swait.ge [sflag:s13], $0x40  }
0x12b: {  	[sflag:s13] =	ssyncset.done $0x0  }
0x12c: {  	[sflag:s13] =	ssyncadd.s32 $0xFFFFFFC0  }
.LBB2_19:
0x12d: {  	s7 =	sshll.u32 s0, $0x8  }
0x12e: {  	s7 =	sshra.s32 s7, $0x2  }
0x12f: {  	v1 =	vld [tilespmem:s7+$0x50C8];
	_ =	sdelay $0x4  }
0x130: {  	[tilespmem:s5+$0x88] =	vst.add.f32.msk $0xffff, v1  }
0x131: {  	v1 =	vld [tilespmem:s7+$0x50D8];
	_ =	sdelay $0x4  }
0x132: {  	[tilespmem:s5+$0x98] =	vst.add.f32.msk $0xffff, v1  }
0x133: {  	v1 =	vld [tilespmem:s7+$0x50E8];
	_ =	sdelay $0x4  }
0x134: {  	[tilespmem:s5+$0xA8] =	vst.add.f32.msk $0xffff, v1  }
0x135: {  	v1 =	vld [tilespmem:s7+$0x50F8];
	_ =	sdelay $0x2  }
0x136: {  	p2 =	sgt.u32 s29, $0xC34F8  }
0x137: {  	s7 =	sand.u32 @!p2 $0xFFFF8, s29  }
0x138: {  	s8 =	sadd.s32 $0x88, s5;
	[tilespmem:s5+$0xB8] =	vst.add.f32.msk $0xffff, v1;
	s5 =	sadd.s32 @!p2 s1, s7;
	s7 =	sand.u32 @!p2 $0x7, s29  }
0x139: {  	[hbm4b:s5+s7] =	stream.linear.scatter @!p2 [tilespmem:s8], [sflag:$0xC], $0x40, $0x38;
	[tilespmem:$0x1EF88] =	vst v63  }
0x13a: {  	s5 =	simm.s32 $0x0  }
0x13b: {  	s5 =	simm.s32 @!p2 $0x100  }
0x13c: {  	s3 =	sadd.s32 s5, s3  }
.LBB2_20:
0x13d: {  	s5 =	sadd.s32 $0x1, s26  }
0x13e: {  	s7 =	smulhi.u32 $0xCCCCCCCD, s5;
	_ =	sdelay $0x1  }
0x13f: {  	v1 =	vld [tilespmem:s30+$0xFFFFFFE0];
	s7 =	sshrl.u32 s7, $0x8  }
0x140: {  	s7 =	smul.u32 $0x140, s7;
	_ =	sdelay $0x1  }
0x141: {  	s26 =	ssub.s32 s5, s7  }
0x142: {  	s5 =	sshll.u32 s26, $0x6  }
0x143: {  	[tilespmem:s5+$0x88] =	vst v1  }
0x144: {  	v1 =	vld [tilespmem:s30+$0xFFFFFFF0];
	_ =	sdelay $0x4  }
0x145: {  	[tilespmem:s5+$0x98] =	vst v1  }
0x146: {  	v1 =	vld [tilespmem:s30+$0x0];
	_ =	sdelay $0x4  }
0x147: {  	[tilespmem:s5+$0xA8] =	vst v1  }
0x148: {  	v1 =	vld [tilespmem:s30+$0x10]  }
.Ltmp17:
0x149: {  	_ = 	snop;
	(pc) =	sbr.rel .LBB2_21-.Ltmp17, $2  }
0x14a: {  	_ =	sdelay $0x2  }
0x14b: {  	s0 =	sadd.s32 $0x1, s0;
	[tilespmem:s5+$0xB8] =	vst v1  }
.LBB2_23:
.Ltmp18:
0x14c: {  	(pc) =	sbr.rel .LBB2_24-.Ltmp18, $4  }
0x14d: {  	_ = 	snop  }
0x14e: {  	s0 =	simm.s32 $0x2  }
0x14f: {  	_ =	swait.ge [sflag:s0], $0x0  }
0x150: {  	s2 =	smov.u32 s29;
	[sflag:s0] =	ssyncset.done $0x0;
	s0 =	simm.s32 $0x0  }
.LBB2_26:
0x151: {  	_ =	sfence.sel $0x180000  }
0x152: {  	s0 =	simm.s32 $0x9;
	[bflag:$0x0] =	sbarrier.arrive $0xFFFF  }
0x153: {  	s24 =	simm.s32 $0xA;
	[sflag:s0] =	ssyncpa.u1 $0x1  }
0x154: {  	s25 =	simm.s32 $0xB;
	[sflag:s24] =	ssyncpa.u1 $0x1  }
0x155: {  	s26 =	simm.s32 $0x2;
	[sflag:s25] =	ssyncpa.u1 $0x1  }
0x156: {  	[sflag:s26] =	ssyncpa.u1 $0x1  }
0x157: {  	v0 =	vld [tilespmem:$0xA108];
	_ =	sdelay $0x4  }
0x158: {  	(v2sf) =	vpush v0, $0x0  }
0x159: {  	(v2sf) =	vpush v0, $0x1;
	_ =	sdelay $0x1  }
0x15a: {  	(v2sf) =	vpush v0, $0x2;
	_ =	sdelay $0xb  }
0x15b: {  	s0 =	spop (v2sf)  }
0x15c: {  	s2 =	spop (v2sf)  }
0x15d: {  	s3 =	smov.u32 s0;
	p0 =	sne.s32 s0, s2  }
0x15e: {  	s4 =	spop (v2sf);
	s3 =	simm.s32 @!p0 $0xFFFFFFFF  }
0x15f: {  	v2 =	vimm.s32 $0x1;
	v3 =	vlaneseq.u32;
	p0 =	seq.s32 s4, $0xFFFFFFFF;
	v1 =	vmov s3  }
0x160: {  	s14 =	stileid.u32;
	v0 =	vperm.xlane v0, v2;
	p1 =	sne.s32 @!p0 s0, s2;
	v1 =	vperm.xlane v1, v3  }
0x161: {  	vm0 =	vcmask $0x3F04;
	s6 =	simm.s32 $0xA108;
	s0 =	simm.s32 @!p0 $0x1;
	p1 =	por !p1, p0  }
0x162: {  	s3 =	sshll.u32 s14, $0x1;
	s2 =	sshll.u32 @!p0 s4, $0x8;
	s0 =	simm.s32 @p1 $0x0;
	v0 =	vsel vm0, v1, v0  }
0x163: {  	s5 =	sor.u32 $0x800, s3;
	s2 =	sshra.s32 @!p0 s2, $0x2;
	s0 =	sor.u32 @!p0 s0, s3;
	[tilespmem:$0xA108] =	vst v0  }
0x164: {  	[spmem:s5] =	stream.linear.scatter [tilespmem:s6], [sflag:$0x1], $0x2, $0x38;
	[tilespmem:$0x1EF88] =	vst v63  }
0x165: {  	s2 =	sadd.s32 @!p0 $0x88, s2;
	s0 =	sshll.u32 @!p0 s0, $0x6  }
0x166: {  	[spmem:s0] =	stream.linear.scatter @!p0 [tilespmem:s2], [sflag:$0x1], $0x40, $0x38;
	[tilespmem:$0x1EF88] =	vst v63  }
0x167: {  	s0 =	simm.s32 @!p0 $0x42  }
0x168: {  	s28 =	simm.s32 $0x1;
	s0 =	simm.s32 @p0 $0x2  }
0x169: {  	_ =	swait.ge [sflag:s28], s0  }
0x16a: {  	s0 =	ssub.s32 $0x0, s0;
	[sflag:s28] =	ssyncset.done $0x0  }
0x16b: {  	p0 =	sne.s32 s14, $0x0;
	[sflag:s28] =	ssyncadd.s32 s0  }
.Ltmp19:
0x16c: {  	_ =	sfence.stream.spmem;
	(pc) =	sbr.rel @p0 .LBB2_43-.Ltmp19, $4  }
0x16d: {  	s29 =	simm.s32 $0x3;
	[bflag:$0x0] =	sbarrier.arrive $0xFFFF  }
0x16e: {  	s30 =	simm.s32 $0x4;
	[sflag:s29] =	ssyncpa.u1 $0x1  }
0x16f: {  	s31 =	simm.s32 $0x3C;
	[sflag:s30] =	ssyncpa.u1 $0x1  }
0x170: {  	s13 =	rddreg [dreg:$0x5];
	[sflag:s31] =	ssyncpa.u1 $0x1  }
0x171: {  	_ =	sfence.stream.spmem;
	s0 =	simm.s32 $0x5  }
0x172: {  	s2 =	simm.s32 $0x800;
	s3 =	simm.s32 $0xA118;
	[sflag:s0] =	ssyncpa.u1 $0x0  }
0x173: {  	[tilespmem:s3], [sflag:$0x5] =	stream.linear.gather [spmem:s2], $0x20, $0x38;
	[tilespmem:$0x1EF88] =	vst v63  }
0x174: {  	s26 =	simm.s32 $0x0;
	s28 =	simm.s32 $0xA138  }
0x175: {  	[tilespmem:s28], [sflag:$0x5] =	stream.linear.gather [spmem:s26], $0x800, $0x38;
	[tilespmem:$0x1EF88] =	vst v63  }
0x176: {  	_ =	swait.ge [sflag:s0], $0x820  }
0x177: {  	[sflag:s0] =	ssyncset.done $0x0  }
0x178: {  	s29 =	simm.s32 $0x0;
	[sflag:s0] =	ssyncadd.s32 $0xFFFFF7E0  }
0x179: {  	v0 =	vld.msk [tilespmem:s29+$0xA118], $0x1;
	_ =	sdelay $0x1  }
0x17a: {  	s30 =	simm.s32 $0x1  }
0x17b: {  	v1 =	vld.msk [tilespmem:s30+$0xA118], $0x1;
	_ =	sdelay $0x1  }
0x17c: {  	(v2sf) =	vpush v0, $0x0;
	_ =	sdelay $0x2  }
0x17d: {  	(v2sf) =	vpush v1, $0x0;
	_ =	sdelay $0x2  }
0x17e: {  	s31 =	simm.s32 $0x2  }
0x17f: {  	v0 =	vld.msk [tilespmem:s31+$0xA118], $0x1;
	_ =	sdelay $0x2  }
0x180: {  	s2 =	simm.s32 $0xFFFFFFFF;
	s3 =	simm.s32 $0xFFFFFFFF;
	s0 =	simm.s32 $0xC  }
.LBB2_28:
0x181: {  	s4 =	smov.u32 s3;
	s5 =	smov.u32 s2  }
0x182: {  	s2 =	sshra.s32 s0, $0x2;
	p1 =	sne.s32 s0, $0x7C;
	s0 =	sadd.s32 $0x4, s0;
	(v2sf) =	vpush v0, $0x0  }
0x183: {  	v0 =	vld.msk [tilespmem:s2+$0xA118], $0x1  }
.Ltmp20:
0x184: {  	(pc) =	sbr.rel @p1 .LBB2_28-.Ltmp20, $4  }
0x185: {  	s3 =	spop (v2sf)  }
0x186: {  	p2 =	sne.s32 s5, $0xFFFFFFFF;
	s2 =	smov.u32 s3  }
0x187: {  	p3 =	seq.s32 s3, $0xFFFFFFFF;
	s2 =	smov.u32 @p2 s5  }
0x188: {  	s3 =	smov.u32 @p3 s4;
	s2 =	smov.u32 @p3 s5  }
0x189: {  	(v2sf) =	vpush v0, $0x0;
	_ =	sdelay $0x8  }
0x18a: {  	s0 =	spop (v2sf)  }
0x18b: {  	p1 =	sne.s32 s2, $0xFFFFFFFF;
	s4 =	smov.u32 s0  }
0x18c: {  	s6 =	simm.s32 $0x0;
	p2 =	seq.s32 s0, $0xFFFFFFFF;
	s4 =	smov.u32 @p1 s2  }
0x18d: {  	s9 =	simm.s32 $0xA0C8;
	s4 =	smov.u32 @p2 s2;
	s2 =	spop (v2sf)  }
0x18e: {  	s0 =	smov.u32 @p2 s3;
	p1 =	sne.s32 s4, $0xFFFFFFFF;
	s5 =	smov.u32 s2  }
.Ltmp21:
0x18f: {  	p2 =	seq.s32 s2, $0xFFFFFFFF;
	s5 =	smov.u32 @p1 s4;
	(pc) =	sbr.rel .LBB2_30-.Ltmp21, $4  }
0x190: {  	s10 =	simm.s32 $0x0;
	s5 =	smov.u32 @p2 s4;
	s7 =	spop (v2sf)  }
0x191: {  	s2 =	smov.u32 @p2 s0;
	p1 =	sne.s32 s5, $0xFFFFFFFF;
	s8 =	smov.u32 s7  }
0x192: {  	s0 =	simm.s32 $0x6;
	p2 =	seq.s32 s7, $0xFFFFFFFF;
	s8 =	smov.u32 @p1 s5  }
0x193: {  	[sflag:s0] =	ssyncpa.u1 $0x0;
	s7 =	smov.u32 @p2 s2;
	s8 =	smov.u32 @p2 s5  }
.LBB2_36:
0x194: {  	p1 =	sgt.u32 s2, $0xC34F8  }
0x195: {  	p2 =	seq.s32 @!p1 s2, s8  }
0x196: {  	p1 =	por p1, p2  }
0x197: {  	p2 =	sne.s32 @!p1 s2, s7  }
0x198: {  	p1 =	por p1, !p2  }
0x199: {  	s2 =	sshll.u32 @p1 s10, $0x8  }
0x19a: {  	s3 =	sand.u32 @!p1 $0xFFFF8, s2  }
0x19b: {  	s2 =	sand.u32 @!p1 $0x7, s2;
	s3 =	sadd.s32 @!p1 s1, s3  }
0x19c: {  	[tilespmem:s9], [sflag:$0x6] =	stream.linear.gather @!p1 [hbm4b:s3+s2], $0x40, $0x38;
	[tilespmem:$0x1EF88] =	vst v63  }
0x19d: {  	_ =	swait.ge @!p1 [sflag:s0], $0x40  }
0x19e: {  	[sflag:s0] =	ssyncset.done @!p1 $0x0  }
0x19f: {  	[sflag:s0] =	ssyncadd.s32 @!p1 $0xFFFFFFC0  }
0x1a0: {  	v1 =	vld @!p1 [tilespmem:$0xA0C8];
	_ =	sdelay $0x2  }
0x1a1: {  	s2 =	sshll.u32 @!p1 s10, $0x8  }
0x1a2: {  	s3 =	sshrl.u32 @!p1 s2, $0x2  }
0x1a3: {  	[tilespmem:s3+$0xA138] =	vst.add.f32.msk @!p1 $0xffff, v1  }
0x1a4: {  	v1 =	vld @!p1 [tilespmem:$0xA0D8];
	_ =	sdelay $0x4  }
0x1a5: {  	[tilespmem:s3+$0xA148] =	vst.add.f32.msk @!p1 $0xffff, v1  }
0x1a6: {  	v1 =	vld @!p1 [tilespmem:$0xA0E8];
	_ =	sdelay $0x4  }
0x1a7: {  	[tilespmem:s3+$0xA158] =	vst.add.f32.msk @!p1 $0xffff, v1  }
0x1a8: {  	v1 =	vld @!p1 [tilespmem:$0xA0F8];
	_ =	sdelay $0x4  }
0x1a9: {  	[tilespmem:s3+$0xA168] =	vst.add.f32.msk @!p1 $0xffff, v1  }
0x1aa: {  	s2 =	sshrl.u32 s2, $0x2;
	[tilespmem:s6+$0xA118] =	vst.msk $0x1, v0  }
0x1ab: {  	v0 =	vld [tilespmem:s2+$0xA138];
	_ =	sdelay $0x2  }
0x1ac: {  	s31 =	sshll.u32 s6, $0x8  }
0x1ad: {  	s3 =	sshra.s32 s31, $0x2  }
0x1ae: {  	[tilespmem:s3+$0xA138] =	vst v0  }
0x1af: {  	v0 =	vld [tilespmem:s2+$0xA148];
	_ =	sdelay $0x4  }
0x1b0: {  	[tilespmem:s3+$0xA148] =	vst v0  }
0x1b1: {  	v0 =	vld [tilespmem:s2+$0xA158];
	_ =	sdelay $0x4  }
0x1b2: {  	[tilespmem:s3+$0xA158] =	vst v0  }
0x1b3: {  	v0 =	vld [tilespmem:s2+$0xA168];
	_ =	sdelay $0x4  }
0x1b4: {  	s6 =	sadd.s32 $0x1, s6;
	[tilespmem:s3+$0xA168] =	vst v0  }
.LBB2_37:
0x1b5: {  	s10 =	sadd.s32 $0x1, s10  }
0x1b6: {  	p1 =	sne.s32 s10, $0x20  }
.Ltmp22:
0x1b7: {  	_ = 	snop;
	(pc) =	sbr.rel @!p1 .LBB2_38-.Ltmp22, $1  }
0x1b8: {  	_ =	sdelay $0x3  }
.LBB2_30:
0x1b9: {  	v0 =	vld.msk [tilespmem:s10+$0xA118], $0x1;
	_ =	sdelay $0x4  }
0x1ba: {  	(v2sf) =	vpush v0, $0x0;
	_ =	sdelay $0xe  }
0x1bb: {  	s2 =	spop (v2sf)  }
0x1bc: {  	p1 =	seq.s32 s2, $0xFFFFFFFF  }
.Ltmp23:
0x1bd: {  	_ = 	snop;
	(pc) =	sbr.rel @p1 .LBB2_37-.Ltmp23, $1  }
0x1be: {  	_ =	sdelay $0x3  }
0x1bf: {  	p1 =	slt.s32 s6, $0x1  }
.Ltmp24:
0x1c0: {  	_ = 	snop;
	(pc) =	sbr.rel @p1 .LBB2_36-.Ltmp24, $1  }
0x1c1: {  	_ =	sdelay $0x3  }
0x1c2: {  	s3 =	simm.s32 $0xA118;
	p1 =	por $0x0, $0x0  }
0x1c3: {  	v1 =	vld.msk @!p1 [tilespmem:s3+$0x0], $0x1;
	_ =	sdelay $0x4  }
0x1c4: {  	(v2sf) =	vpush @!p1 v1, $0x0;
	_ =	sdelay $0xd  }
0x1c5: {  	p3 =	sne.s32 s6, $0x1  }
.Ltmp25:
0x1c6: {  	s4 =	spop @!p1 (v2sf);
	(pc) =	sbr.rel @!p3 .LBB2_34-.Ltmp25, $4  }
0x1c7: {  	p2 =	seq.s32 @!p1 s2, s4  }
0x1c8: {  	s4 =	simm.s32 $0x0;
	p2 =	por !p2, p1  }
0x1c9: {  	s11 =	simm.s32 $0xFFFFFFFF;
	s4 =	simm.s32 @p2 $0xFFFFFFFF  }
0x1ca: {  	s5 =	simm.s32 $0x1;
	s4 =	smov.u32 @p1 s11  }
.LBB2_33:
0x1cb: {  	s11 =	smov.u32 s4;
	p1 =	sne.s32 s4, $0xFFFFFFFF  }
0x1cc: {  	s3 =	sadd.s32 $0x1, s3;
	s4 =	smov.u32 s5;
	s5 =	sadd.s32 $0x1, s5  }
0x1cd: {  	p2 =	sne.s32 s6, s5;
	v1 =	vld.msk @!p1 [tilespmem:s3+$0x0], $0x1;
	_ =	sdelay $0x4  }
0x1ce: {  	(v2sf) =	vpush @!p1 v1, $0x0;
	_ =	sdelay $0xe  }
.Ltmp26:
0x1cf: {  	s12 =	spop @!p1 (v2sf);
	(pc) =	sbr.rel @p2 .LBB2_33-.Ltmp26, $4  }
0x1d0: {  	p3 =	seq.s32 @!p1 s2, s12  }
0x1d1: {  	p3 =	por !p3, p1  }
0x1d2: {  	s4 =	simm.s32 @p3 $0xFFFFFFFF  }
0x1d3: {  	s4 =	smov.u32 @p1 s11  }
.LBB2_34:
0x1d4: {  	p1 =	seq.s32 s4, $0xFFFFFFFF  }
.Ltmp27:
0x1d5: {  	_ = 	snop;
	(pc) =	sbr.rel @p1 .LBB2_36-.Ltmp27, $1  }
0x1d6: {  	_ =	sdelay $0x3  }
0x1d7: {  	s2 =	sshll.u32 s10, $0x6  }
0x1d8: {  	s2 =	sand.u32 $0x3FFFFFC0, s2  }
0x1d9: {  	v0 =	vld [tilespmem:s2+$0xA138];
	_ =	sdelay $0x2  }
0x1da: {  	s3 =	sshll.u32 s4, $0x8  }
0x1db: {  	s3 =	sshra.s32 s3, $0x2  }
0x1dc: {  	[tilespmem:s3+$0xA138] =	vst.add.f32.msk $0xffff, v0  }
0x1dd: {  	v0 =	vld [tilespmem:s2+$0xA148];
	_ =	sdelay $0x4  }
0x1de: {  	[tilespmem:s3+$0xA148] =	vst.add.f32.msk $0xffff, v0  }
0x1df: {  	v0 =	vld [tilespmem:s2+$0xA158];
	_ =	sdelay $0x4  }
0x1e0: {  	[tilespmem:s3+$0xA158] =	vst.add.f32.msk $0xffff, v0  }
0x1e1: {  	v0 =	vld [tilespmem:s2+$0xA168]  }
.Ltmp28:
0x1e2: {  	_ = 	snop;
	(pc) =	sbr.rel .LBB2_37-.Ltmp28, $2  }
0x1e3: {  	_ =	sdelay $0x2  }
0x1e4: {  	[tilespmem:s3+$0xA168] =	vst.add.f32.msk $0xffff, v0  }
.LBB2_38:
0x1e5: {  	s0 =	simm.s32 $0x6;
	p1 =	seq.s32 s6, $0x0  }
0x1e6: {  	[sflag:s0] =	ssyncpa.u1 $0x1;
	v0 =	vimm.s32 @p1 $0xFFFFFFFF  }
0x1e7: {  	s0 =	sadd.s32 $0xFFFFFFFF, s6;
	[tilespmem:$0xA938] =	vst @p1 v0  }
0x1e8: {  	v0 =	vld.msk @!p1 [tilespmem:s0+$0xA118], $0x1;
	_ =	sdelay $0x1  }
0x1e9: {  	v1 =	vld.msk @!p1 [tilespmem:$0xA118], $0x1;
	_ =	sdelay $0x2  }
0x1ea: {  	p2 =	seq.s32 @!p1 s0, $0x0;
	v0 =	vbroadcast @!p1 v0, $0x0  }
0x1eb: {  	vm0 =	vmmov @!p1 $0x1;
	p2 =	por !p2, p1  }
0x1ec: {  	v1 =	vnsel @!p1 vm0, $0xFFFFFFFF, v1;
	vm0 =	vcmask @!p1 $0x308;
	v0 =	vpsel !p2, $0xFFFFFFFF, v0  }
0x1ed: {  	p2 =	sne.s32 @!p1 s8, s7;
	v0 =	vsel @!p1 vm0, v1, v0  }
0x1ee: {  	s2 =	simm.s32 @!p1 $0xA138;
	s3 =	simm.s32 @!p1 $0x0;
	p3 =	por !p2, p1;
	[tilespmem:$0xA938] =	vst @!p1 v0  }
0x1ef: {  	[spmem:s3] =	stream.linear.scatter @!p1 [tilespmem:s2], [sflag:$0x1], $0x40, $0x38;
	[tilespmem:$0x1EF88] =	vst v63  }
0x1f0: {  	s2 =	sshll.u32 @!p3 s0, $0x8  }
0x1f1: {  	s2 =	sshra.s32 @!p3 s2, $0x2  }
0x1f2: {  	s3 =	simm.s32 @!p3 $0x40;
	s2 =	sadd.s32 @!p3 $0xA138, s2  }
0x1f3: {  	[spmem:s3] =	stream.linear.scatter @!p3 [tilespmem:s2], [sflag:$0x1], $0x40, $0x38;
	[tilespmem:$0x1EF88] =	vst v63  }
0x1f4: {  	s2 =	simm.s32 @!p3 $0x1  }
0x1f5: {  	_ =	swait.ge @!p3 [sflag:s2], $0x80  }
0x1f6: {  	p1 =	por p2, p1;
	[sflag:s2] =	ssyncset.done @!p3 $0x0  }
0x1f7: {  	[sflag:s2] =	ssyncadd.s32 @!p3 $0xFFFFFF80;
	s2 =	simm.s32 @!p1 $0x1  }
0x1f8: {  	_ =	swait.ge @!p1 [sflag:s2], $0x40  }
0x1f9: {  	s29 =	simm.s32 $0xA938;
	[sflag:s2] =	ssyncset.done @!p1 $0x0  }
0x1fa: {  	s30 =	simm.s32 $0x800;
	s31 =	simm.s32 $0x1;
	[sflag:s2] =	ssyncadd.s32 @!p1 $0xFFFFFFC0  }
0x1fb: {  	[spmem:s30] =	stream.linear.scatter [tilespmem:s29], [sflag:$0x1], $0x10, $0x38;
	[tilespmem:$0x1EF88] =	vst v63  }
0x1fc: {  	_ =	swait.ge [sflag:s31], $0x10  }
0x1fd: {  	[sflag:s31] =	ssyncset.done $0x0  }
0x1fe: {  	p1 =	seq.s32 s13, $0x0;
	s9 =	rddreg [dreg:$0x2];
	[sflag:s31] =	ssyncadd.s32 $0xFFFFFFF0  }
0x1ff: {  	s3 =	sshll.u32 @p1 s9, $0xE;
	s8 =	rddreg [dreg:$0x3]  }
0x200: {  	s2 =	sadd.s32 @p1 $0x15C3C, s3;
	s3 =	sshll.u32 @p1 s8, $0x11  }
0x201: {  	_ =	sfence.stream.spmem;
	s2 =	sor.u32 @p1 s3, s2  }
0x202: {  	[sflag:s2] =	ssyncadd.remote.s32 @p1 $0x1;
	s2 =	simm.s32 @p1 $0x4  }
0x203: {  	s4 =	simm.s32 @!p1 $0x3C;
	s3 =	sand.u32 $0xFFFFFFFE, s9;
	_ =	swait.ge @p1 [sflag:s2], $0x12  }
0x204: {  	s5 =	simm.s32 @!p1 $0x0;
	s3 =	sadd.s32 @!p1 $0x4, s3;
	[sflag:s2] =	ssyncset.done @p1 $0x0  }
0x205: {  	s7 =	simm.s32 @!p1 $0x80;
	[sflag:s2] =	ssyncadd.s32 @p1 $0xFFFFFFEE;
	s2 =	sshll.u32 @!p1 s3, $0x1A  }
0x206: {  	s3 =	sshll.u32 @!p1 s3, $0xD;
	s2 =	sor.u32 @!p1 s2, s8;
	_ =	swait.eq @!p1 [sflag:s4], $0x1  }
0x207: {  	s3 =	sor.u32 @!p1 $0x1C04, s3;
	s4 =	simm.s32 @!p1 $0x1C03;
	s2 =	sor.u32 @!p1 $0x80004000, s2  }
0x208: {  	[spmem:s7], [sflag:s3] =	dma.general @!p1 [spmem:s5], [sflag:s4], length:$0x10, [dreg:$0x0], stride_count:$0x0, ici_dest:s2, dma_misc:DstOpCode:WRITE  }
0x209: {  	p2 =	slt.s32 s0, $0x2;
	s5 =	simm.s32 @!p1 $0x100;
	s7 =	simm.s32 @!p1 $0x102  }
0x20a: {  	[spmem:s7], [sflag:s3] =	dma.general @!p1 [spmem:s5], [sflag:s4], length:$0x2, [dreg:$0x0], stride_count:$0x0, ici_dest:s2, dma_misc:DstOpCode:WRITE  }
.Ltmp29:
0x20b: {  	s2 =	simm.s32 @!p1 $0x3;
	(pc) =	sbr.rel @p2 .LBB2_42-.Ltmp29, $4  }
0x20c: {  	s3 =	sshll.u32 @!p1 s9, $0xE;
	_ =	swait.ge @!p1 [sflag:s2], $0x12  }
0x20d: {  	s4 =	sshll.u32 @!p1 s8, $0x11;
	s3 =	sadd.s32 @!p1 $0x11C3C, s3;
	[sflag:s2] =	ssyncset.done @!p1 $0x0  }
0x20e: {  	[sflag:s2] =	ssyncadd.s32 @!p1 $0xFFFFFFEE;
	s2 =	sor.u32 @!p1 s4, s3  }
0x20f: {  	s0 =	simm.s32 $0x0;
	[sflag:s2] =	ssyncadd.remote.s32 @!p1 $0xFFFFFFFF  }
0x210: {  	s0 =	simm.s32 $0xA119  }
0x211: {  	v0 =	vld.msk [tilespmem:s0+$0x0], $0x1;
	_ =	sdelay $0x4  }
0x212: {  	(v2sf) =	vpush v0, $0x0;
	_ =	sdelay $0xc  }
0x213: {  	s2 =	sadd.s32 $0xFFFFFFFE, s6  }
0x214: {  	s2 =	sadd.s32 $0xFFFFFFFF, s2  }
0x215: {  	p2 =	sne.s32 s2, $0x0;
	s3 =	spop (v2sf)  }
.Ltmp30:
0x216: {  	p1 =	sgt.u32 s3, $0xC34F8;
	(pc) =	sbr.rel @!p2 .LBB2_41-.Ltmp30, $4  }
0x217: {  	s5 =	simm.s32 $0x0;
	s4 =	sand.u32 @!p1 $0xFFFF8, s3  }
0x218: {  	s0 =	simm.s32 $0xA178;
	s3 =	sand.u32 @!p1 $0x7, s3;
	s4 =	sadd.s32 @!p1 s1, s4  }
0x219: {  	[hbm4b:s4+s3] =	stream.linear.scatter @!p1 [tilespmem:s0], [sflag:$0x5], $0x40, $0x38;
	[tilespmem:$0x1EF88] =	vst v63  }
0x21a: {  	s5 =	simm.s32 @!p1 $0x100;
	s3 =	simm.s32 $0x0;
	s4 =	simm.s32 $0xA11A  }
.LBB2_40:
0x21b: {  	v0 =	vld.msk [tilespmem:s4+$0x0], $0x1;
	s2 =	sadd.s32 $0xFFFFFFFF, s2;
	s3 =	sadd.s32 s3, s5  }
0x21c: {  	p1 =	sne.s32 s2, $0x0;
	_ =	sdelay $0x3  }
0x21d: {  	(v2sf) =	vpush v0, $0x0;
	_ =	sdelay $0xe  }
.Ltmp31:
0x21e: {  	s6 =	spop (v2sf);
	(pc) =	sbr.rel @p1 .LBB2_40-.Ltmp31, $4  }
0x21f: {  	s5 =	simm.s32 $0x0;
	p2 =	sgt.u32 s6, $0xC34F8  }
0x220: {  	s0 =	sadd.s32 $0x40, s0;
	s5 =	simm.s32 @!p2 $0x100;
	s7 =	sand.u32 @!p2 $0xFFFF8, s6  }
0x221: {  	s4 =	sadd.s32 $0x1, s4;
	s6 =	sand.u32 @!p2 $0x7, s6;
	s7 =	sadd.s32 @!p2 s1, s7  }
0x222: {  	[hbm4b:s7+s6] =	stream.linear.scatter @!p2 [tilespmem:s0], [sflag:$0x5], $0x40, $0x38;
	[tilespmem:$0x1EF88] =	vst v63  }
.LBB2_41:
0x223: {  	s0 =	sadd.s32 s3, s5  }
0x224: {  	s0 =	sshrl.u32 s0, $0x2  }
.LBB2_42:
0x225: {  	s2 =	simm.s32 $0x5  }
0x226: {  	_ =	swait.ge [sflag:s2], s0  }
0x227: {  	s31 =	ssub.s32 $0x0, s0;
	[sflag:s2] =	ssyncset.done $0x0  }
0x228: {  	[sflag:s2] =	ssyncadd.s32 s31  }
0x229: {  	[sflag:s2] =	ssyncpa.u1 $0x1  }
.LBB2_43:
0x22a: {  	s0 =	sor.u32 s13, s14  }
0x22b: {  	p1 =	sne.s32 s0, $0x0  }
.Ltmp32:
0x22c: {  	_ = 	snop;
	(pc) =	sbr.rel @p1 .LBB2_58-.Ltmp32, $3  }
0x22d: {  	_ =	sdelay $0x1  }
0x22e: {  	[bflag:$0x0] =	sbarrier.arrive $0xFFFF  }
0x22f: {  	_ =	sfence  }
0x230: {  	s2 =	simm.s32 $0x7  }
0x231: {  	s0 =	simm.s32 $0x800;
	s3 =	simm.s32 $0xA118;
	[sflag:s2] =	ssyncpa.u1 $0x0  }
0x232: {  	[tilespmem:s3], [sflag:$0x7] =	stream.linear.gather [spmem:s0], $0x20, $0x38;
	[tilespmem:$0x1EF88] =	vst v63  }
0x233: {  	s30 =	simm.s32 $0xA138;
	s0 =	simm.s32 $0x0  }
0x234: {  	[tilespmem:s30], [sflag:$0x7] =	stream.linear.gather [spmem:s0], $0x800, $0x38;
	[tilespmem:$0x1EF88] =	vst v63  }
.Ltmp33:
0x235: {  	_ = 	snop;
	(pc) =	sbr.rel .LBB2_45-.Ltmp33, $4  }
0x236: {  	_ =	swait.ge [sflag:s2], $0x820  }
0x237: {  	[sflag:s2] =	ssyncset.done $0x0  }
0x238: {  	s31 =	simm.s32 $0x8;
	[sflag:s2] =	ssyncadd.s32 $0xFFFFF7E0  }
0x239: {  	s2 =	simm.s32 $0x0;
	[sflag:s31] =	ssyncpa.u1 $0x0  }
.LBB2_51:
0x23a: {  	p1 =	slt.u32 s3, $0xC34F9  }
0x23b: {  	s4 =	sand.u32 @p1 $0xFFFF8, s3  }
0x23c: {  	s3 =	sand.u32 @p1 $0x7, s3;
	s5 =	simm.s32 @p1 $0xA0C8;
	s4 =	sadd.s32 @p1 s1, s4  }
0x23d: {  	[tilespmem:s5], [sflag:$0x8] =	stream.linear.gather @p1 [hbm4b:s4+s3], $0x40, $0x38;
	[tilespmem:$0x1EF88] =	vst v63  }
0x23e: {  	s3 =	simm.s32 @p1 $0x8  }
0x23f: {  	_ =	swait.ge @p1 [sflag:s3], $0x40  }
0x240: {  	[sflag:s3] =	ssyncset.done @p1 $0x0  }
0x241: {  	[sflag:s3] =	ssyncadd.s32 @p1 $0xFFFFFFC0  }
0x242: {  	v1 =	vld @p1 [tilespmem:$0xA0C8];
	_ =	sdelay $0x2  }
0x243: {  	s3 =	sshll.u32 @p1 s2, $0x8  }
0x244: {  	s4 =	sshrl.u32 @p1 s3, $0x2  }
0x245: {  	[tilespmem:s4+$0xA138] =	vst.add.f32.msk @p1 $0xffff, v1  }
0x246: {  	v1 =	vld @p1 [tilespmem:$0xA0D8];
	_ =	sdelay $0x4  }
0x247: {  	[tilespmem:s4+$0xA148] =	vst.add.f32.msk @p1 $0xffff, v1  }
0x248: {  	v1 =	vld @p1 [tilespmem:$0xA0E8];
	_ =	sdelay $0x4  }
0x249: {  	[tilespmem:s4+$0xA158] =	vst.add.f32.msk @p1 $0xffff, v1  }
0x24a: {  	v1 =	vld @p1 [tilespmem:$0xA0F8];
	_ =	sdelay $0x3  }
0x24b: {  	s5 =	sshll.u32 @!p1 s2, $0x8  }
0x24c: {  	s5 =	smov.u32 @p1 s3;
	[tilespmem:s4+$0xA168] =	vst.add.f32.msk @p1 $0xffff, v1  }
0x24d: {  	s3 =	sshrl.u32 s5, $0x2;
	[tilespmem:s0+$0xA118] =	vst.msk $0x1, v0  }
0x24e: {  	v0 =	vld [tilespmem:s3+$0xA138];
	_ =	sdelay $0x2  }
0x24f: {  	s31 =	sshll.u32 s0, $0x8  }
0x250: {  	s4 =	sshra.s32 s31, $0x2  }
0x251: {  	[tilespmem:s4+$0xA138] =	vst v0  }
0x252: {  	v0 =	vld [tilespmem:s3+$0xA148];
	_ =	sdelay $0x4  }
0x253: {  	[tilespmem:s4+$0xA148] =	vst v0  }
0x254: {  	v0 =	vld [tilespmem:s3+$0xA158];
	_ =	sdelay $0x4  }
0x255: {  	[tilespmem:s4+$0xA158] =	vst v0  }
0x256: {  	v0 =	vld [tilespmem:s3+$0xA168];
	_ =	sdelay $0x4  }
0x257: {  	s0 =	sadd.s32 $0x1, s0;
	[tilespmem:s4+$0xA168] =	vst v0  }
.LBB2_52:
0x258: {  	s2 =	sadd.s32 $0x1, s2  }
0x259: {  	p1 =	sne.s32 s2, $0x20  }
.Ltmp34:
0x25a: {  	_ = 	snop;
	(pc) =	sbr.rel @!p1 .LBB2_53-.Ltmp34, $1  }
0x25b: {  	_ =	sdelay $0x3  }
.LBB2_45:
0x25c: {  	v0 =	vld.msk [tilespmem:s2+$0xA118], $0x1;
	_ =	sdelay $0x4  }
0x25d: {  	(v2sf) =	vpush v0, $0x0;
	_ =	sdelay $0xe  }
0x25e: {  	s3 =	spop (v2sf)  }
0x25f: {  	p1 =	seq.s32 s3, $0xFFFFFFFF  }
.Ltmp35:
0x260: {  	_ = 	snop;
	(pc) =	sbr.rel @p1 .LBB2_52-.Ltmp35, $1  }
0x261: {  	_ =	sdelay $0x3  }
0x262: {  	p1 =	slt.s32 s0, $0x1  }
.Ltmp36:
0x263: {  	_ = 	snop;
	(pc) =	sbr.rel @p1 .LBB2_51-.Ltmp36, $1  }
0x264: {  	_ =	sdelay $0x3  }
0x265: {  	s4 =	simm.s32 $0xA118;
	p1 =	por $0x0, $0x0  }
0x266: {  	v1 =	vld.msk @!p1 [tilespmem:s4+$0x0], $0x1;
	_ =	sdelay $0x4  }
0x267: {  	(v2sf) =	vpush @!p1 v1, $0x0;
	_ =	sdelay $0xd  }
0x268: {  	p3 =	sne.s32 s0, $0x1  }
.Ltmp37:
0x269: {  	s5 =	spop @!p1 (v2sf);
	(pc) =	sbr.rel @!p3 .LBB2_49-.Ltmp37, $4  }
0x26a: {  	p2 =	seq.s32 @!p1 s3, s5  }
0x26b: {  	s5 =	simm.s32 $0x0;
	p2 =	por !p2, p1  }
0x26c: {  	s7 =	simm.s32 $0xFFFFFFFF;
	s5 =	simm.s32 @p2 $0xFFFFFFFF  }
0x26d: {  	s6 =	simm.s32 $0x1;
	s5 =	smov.u32 @p1 s7  }
.LBB2_48:
0x26e: {  	s7 =	smov.u32 s5;
	p1 =	sne.s32 s5, $0xFFFFFFFF  }
0x26f: {  	s4 =	sadd.s32 $0x1, s4;
	s5 =	smov.u32 s6;
	s6 =	sadd.s32 $0x1, s6  }
0x270: {  	p2 =	sne.s32 s0, s6;
	v1 =	vld.msk @!p1 [tilespmem:s4+$0x0], $0x1;
	_ =	sdelay $0x4  }
0x271: {  	(v2sf) =	vpush @!p1 v1, $0x0;
	_ =	sdelay $0xe  }
.Ltmp38:
0x272: {  	s8 =	spop @!p1 (v2sf);
	(pc) =	sbr.rel @p2 .LBB2_48-.Ltmp38, $4  }
0x273: {  	p3 =	seq.s32 @!p1 s3, s8  }
0x274: {  	p3 =	por !p3, p1  }
0x275: {  	s5 =	simm.s32 @p3 $0xFFFFFFFF  }
0x276: {  	s5 =	smov.u32 @p1 s7  }
.LBB2_49:
0x277: {  	p1 =	seq.s32 s5, $0xFFFFFFFF  }
.Ltmp39:
0x278: {  	_ = 	snop;
	(pc) =	sbr.rel @p1 .LBB2_51-.Ltmp39, $1  }
0x279: {  	_ =	sdelay $0x3  }
0x27a: {  	s3 =	sshll.u32 s2, $0x6  }
0x27b: {  	s3 =	sand.u32 $0x3FFFFFC0, s3  }
0x27c: {  	v0 =	vld [tilespmem:s3+$0xA138];
	_ =	sdelay $0x2  }
0x27d: {  	s4 =	sshll.u32 s5, $0x8  }
0x27e: {  	s4 =	sshra.s32 s4, $0x2  }
0x27f: {  	[tilespmem:s4+$0xA138] =	vst.add.f32.msk $0xffff, v0  }
0x280: {  	v0 =	vld [tilespmem:s3+$0xA148];
	_ =	sdelay $0x4  }
0x281: {  	[tilespmem:s4+$0xA148] =	vst.add.f32.msk $0xffff, v0  }
0x282: {  	v0 =	vld [tilespmem:s3+$0xA158];
	_ =	sdelay $0x4  }
0x283: {  	[tilespmem:s4+$0xA158] =	vst.add.f32.msk $0xffff, v0  }
0x284: {  	v0 =	vld [tilespmem:s3+$0xA168]  }
.Ltmp40:
0x285: {  	_ = 	snop;
	(pc) =	sbr.rel .LBB2_52-.Ltmp40, $2  }
0x286: {  	_ =	sdelay $0x2  }
0x287: {  	[tilespmem:s4+$0xA168] =	vst.add.f32.msk $0xffff, v0  }
.LBB2_53:
0x288: {  	p1 =	slt.s32 s0, $0x1  }
.Ltmp41:
0x289: {  	_ = 	snop;
	(pc) =	sbr.rel @p1 .LBB2_57-.Ltmp41, $3  }
0x28a: {  	_ =	sdelay $0x1  }
0x28b: {  	s2 =	simm.s32 $0x8  }
0x28c: {  	[sflag:s2] =	ssyncpa.u1 $0x1;
	s2 =	simm.s32 $0x0  }
0x28d: {  	s3 =	simm.s32 $0xA118  }
0x28e: {  	v0 =	vld.msk [tilespmem:s3+$0x0], $0x1;
	_ =	sdelay $0x4  }
0x28f: {  	(v2sf) =	vpush v0, $0x0;
	_ =	sdelay $0xe  }
0x290: {  	s0 =	sadd.s32 $0xFFFFFFFF, s0;
	s4 =	spop (v2sf)  }
0x291: {  	p2 =	sne.s32 s0, $0x0;
	p1 =	sgt.u32 s4, $0xC34F8  }
.Ltmp42:
0x292: {  	s5 =	sand.u32 @!p1 $0xFFFF8, s4;
	(pc) =	sbr.rel @!p2 .LBB2_56-.Ltmp42, $4  }
0x293: {  	s3 =	simm.s32 $0xA138;
	s4 =	sand.u32 @!p1 $0x7, s4;
	s5 =	sadd.s32 @!p1 s1, s5  }
0x294: {  	[hbm4b:s5+s4] =	stream.linear.scatter @!p1 [tilespmem:s3], [sflag:$0x7], $0x40, $0x38;
	[tilespmem:$0x1EF88] =	vst v63  }
0x295: {  	s5 =	simm.s32 $0x0  }
0x296: {  	s4 =	simm.s32 $0xA119;
	s5 =	simm.s32 @!p1 $0x100  }
.LBB2_55:
0x297: {  	v0 =	vld.msk [tilespmem:s4+$0x0], $0x1;
	s0 =	sadd.s32 $0xFFFFFFFF, s0;
	s2 =	sadd.s32 s2, s5  }
0x298: {  	p1 =	sne.s32 s0, $0x0;
	_ =	sdelay $0x3  }
0x299: {  	(v2sf) =	vpush v0, $0x0;
	_ =	sdelay $0xe  }
.Ltmp43:
0x29a: {  	s6 =	spop (v2sf);
	(pc) =	sbr.rel @p1 .LBB2_55-.Ltmp43, $4  }
0x29b: {  	s5 =	simm.s32 $0x0;
	p2 =	sgt.u32 s6, $0xC34F8  }
0x29c: {  	s3 =	sadd.s32 $0x40, s3;
	s5 =	simm.s32 @!p2 $0x100;
	s7 =	sand.u32 @!p2 $0xFFFF8, s6  }
0x29d: {  	s4 =	sadd.s32 $0x1, s4;
	s6 =	sand.u32 @!p2 $0x7, s6;
	s7 =	sadd.s32 @!p2 s1, s7  }
0x29e: {  	[hbm4b:s7+s6] =	stream.linear.scatter @!p2 [tilespmem:s3], [sflag:$0x7], $0x40, $0x38;
	[tilespmem:$0x1EF88] =	vst v63  }
.LBB2_56:
0x29f: {  	s0 =	sadd.s32 s2, s5  }
0x2a0: {  	s2 =	sshrl.u32 s0, $0x2  }
.LBB2_57:
0x2a1: {  	s0 =	simm.s32 $0x7  }
0x2a2: {  	_ =	swait.ge [sflag:s0], s2  }
0x2a3: {  	s1 =	ssub.s32 $0x0, s2;
	[sflag:s0] =	ssyncset.done $0x0  }
0x2a4: {  	[sflag:s0] =	ssyncadd.s32 s1  }
0x2a5: {  	[sflag:s0] =	ssyncpa.u1 $0x1  }
.LBB2_58:
0x2a6: {  	_ =	sfence;
	s0 =	simm.s32 $0x1  }
0x2a7: {  	[sflag:s0] =	ssyncpa.u1 $0x1  }
0x2a8: {  	_ =	strace $0x9000004A  }
0x2a9: {  	[bflag:$0x2] =	sbarrier.arrive $0xFFFF  }
0x2aa: {  	s0 =	rddreg [dreg:$0x4]  }
0x2ab: {  	s0 =	sadd.s32 @!p0 $0x100000, s0  }
0x2ac: {  	[sflag:s0] =	ssyncadd.tile.s32 @!p0 $0x1;
	_ =	shalt  }
.Lfunc_end2:
_tile_overlayer_lowered:
.L_overlay_start_2:
0x2ad: {  	(tag) =	ssettag $0x2  }
0x2ae: {  	s0 =	rddreg [dreg:$0x0];
	s2 =	stileid.u32  }
0x2af: {  	s1 =	rddreg [dreg:$0x1];
	p0 =	sne.s32 s2, $0x0  }
0x2b0: {  	s3 =	rddreg [dreg:$0x2];
	[bflag:$0x3] =	sbarrier.arrive $0xFFFF;
	s2 =	simm.s32 @!p0 $0x1C01  }
0x2b1: {  	[timem:s3], [sflag:s2] =	dma.local @!p0 [hbm:s0], s1  }
0x2b2: {  	s0 =	simm.s32 @!p0 $0x1  }
0x2b3: {  	_ =	swait.ge @!p0 [sflag:s0], s1  }
0x2b4: {  	s1 =	ssub.s32 @!p0 $0x0, s1;
	[sflag:s0] =	ssyncset.done @!p0 $0x0  }
0x2b5: {  	[sflag:s0] =	ssyncadd.s32 @!p0 s1  }
0x2b6: {  	[bflag:$0x3] =	sbarrier.arrive $0xFFFF  }
0x2b7: {  	_ =	shalt  }

</sc_bundles>
